<compile_context>
chip_gen: v7x
topology: tpu7x:2x2x1
jax: 0.10.2.dev20260603
libtpu: 0.0.44.dev20260713+nightly
codegen_flags: <defaults>
</compile_context>

<pallas_src>
import functools

import jax
import jax.numpy as jnp
from jax import lax
from jax.experimental import pallas as pl
from jax.experimental.pallas import tpu as pltpu
from jax.experimental.pallas import tpu_sc as plsc

N_NODES = 10000
N_EDGES = 320000
D_FEAT = 128
D_HALF = D_FEAT // 2
D_EDGE = 16
LN_EPS = 1e-6

NC = 2
NS = 16
NPAD = 10240
EPAD = 327680
ESTORE = EPAD + 512
EW = EPAD // NS
BLK = 128
NBUF = 4
EBUF = 2
ITERS = EW // (NBUF * BLK)
ECHUNK = EW // 2
ROWS_PER_TILE = NPAD // NS


def _sc_segment_sums():
    mesh = plsc.VectorSubcoreMesh(core_axis_name="c", subcore_axis_name="s")

    @functools.partial(
        pl.kernel,
        out_type=[
            jax.ShapeDtypeStruct((NC * NPAD, D_HALF), jnp.float32),
            jax.ShapeDtypeStruct((NC * NPAD, D_EDGE), jnp.float32),
        ],
        mesh=mesh,
        compiler_params=pltpu.CompilerParams(use_tc_tiling_on_sc=False),
        scratch_types=(
            [pltpu.VMEM((BLK,), jnp.int32) for _ in range(NBUF)]
            + [pltpu.VMEM((BLK,), jnp.int32) for _ in range(NBUF)]
            + [pltpu.VMEM((BLK, D_HALF), jnp.float32) for _ in range(NBUF)]
            + [pltpu.VMEM((BLK,), jnp.int32) for _ in range(EBUF)]
            + [pltpu.VMEM((BLK, D_EDGE), jnp.float32) for _ in range(EBUF)]
            + [pltpu.VMEM_SHARED((NPAD, D_HALF), jnp.float32),
               pltpu.VMEM_SHARED((NPAD, D_EDGE), jnp.float32)]
            + [pltpu.SemaphoreType.DMA] * (4 * NBUF + 3 * EBUF)
        ),
    )
    def seg(nodes_hbm, edges_hbm, send2_hbm, recv_hbm, out_n, out_e, *scr):
        p = 0
        sidx = scr[p:p + NBUF]; p += NBUF
        ridx = scr[p:p + NBUF]; p += NBUF
        rows = scr[p:p + NBUF]; p += NBUF
        eidx = scr[p:p + EBUF]; p += EBUF
        erow = scr[p:p + EBUF]; p += EBUF
        acc = scr[p]; eacc = scr[p + 1]; p += 2
        sisem = scr[p:p + NBUF]; p += NBUF
        risem = scr[p:p + NBUF]; p += NBUF
        gsem = scr[p:p + NBUF]; p += NBUF
        scsem = scr[p:p + NBUF]; p += NBUF
        eisem = scr[p:p + EBUF]; p += EBUF
        edsem = scr[p:p + EBUF]; p += EBUF
        escsem = scr[p:p + EBUF]; p += EBUF

        c = lax.axis_index("c")
        s = lax.axis_index("s")

        zero16 = jnp.zeros((16,), jnp.float32)

        def zrow(i, carry):
            for j in range(D_HALF // 16):
                rows[0][i, pl.ds(j * 16, 16)] = zero16
            erow[0][i, :] = zero16
            return carry

        lax.fori_loop(0, BLK, zrow, 0)
        for t in range(ROWS_PER_TILE // BLK):
            off = s * ROWS_PER_TILE + t * BLK
            pltpu.sync_copy(rows[0], acc.at[pl.ds(off, BLK)])
            pltpu.sync_copy(erow[0], eacc.at[pl.ds(off, BLK)])
        plsc.subcore_barrier()

        nbase = s * EW
        sbase = c * ESTORE + nbase
        ebase = (2 * s + c) * ECHUNK

        def fire_nidx(j, blk):
            off = blk * BLK
            a = pltpu.async_copy(send2_hbm.at[pl.ds(sbase + off, BLK)],
                                 sidx[j], sisem[j])
            b = pltpu.async_copy(recv_hbm.at[pl.ds(nbase + off, BLK)],
                                 ridx[j], risem[j])
            return a, b

        def fire_eidx(j, blk):
            off = blk * BLK
            data_off = jnp.minimum(ebase + off, N_EDGES - BLK)
            a = pltpu.async_copy(recv_hbm.at[pl.ds(ebase + off, BLK)],
                                 eidx[j], eisem[j])
            b = pltpu.async_copy(edges_hbm.at[pl.ds(data_off, BLK)],
                                 erow[j], edsem[j])
            return a, b

        for j in range(NBUF):
            fire_nidx(j, j)
        for j in range(EBUF):
            fire_eidx(j, j)

        def body(i, carry):
            for j in range(NBUF):
                pltpu.make_async_copy(send2_hbm.at[pl.ds(0, BLK)],
                                      sidx[j], sisem[j]).wait()
                pltpu.async_copy(nodes_hbm.at[sidx[j]], rows[j], gsem[j])
            for j in range(EBUF):
                pltpu.make_async_copy(recv_hbm.at[pl.ds(0, BLK)],
                                      eidx[j], eisem[j]).wait()
                pltpu.make_async_copy(edges_hbm.at[pl.ds(0, BLK)],
                                      erow[j], edsem[j]).wait()
                pltpu.async_copy(erow[j], eacc.at[eidx[j]], escsem[j],
                                 add=True)
            for j in range(NBUF):
                pltpu.make_async_copy(nodes_hbm.at[sidx[j]], rows[j],
                                      gsem[j]).wait()
                pltpu.make_async_copy(recv_hbm.at[pl.ds(0, BLK)],
                                      ridx[j], risem[j]).wait()
                pltpu.async_copy(rows[j], acc.at[ridx[j]], scsem[j], add=True)
            for j in range(NBUF):
                pltpu.make_async_copy(rows[j], acc.at[ridx[j]],
                                      scsem[j]).wait()
                fire_nidx(j, (i + 1) * NBUF + j)
            for j in range(EBUF):
                pltpu.make_async_copy(erow[j], eacc.at[eidx[j]],
                                      escsem[j]).wait()
                fire_eidx(j, (i + 1) * EBUF + j)
            return carry

        lax.fori_loop(0, ITERS, body, 0)
        for j in range(NBUF):
            pltpu.make_async_copy(send2_hbm.at[pl.ds(0, BLK)],
                                  sidx[j], sisem[j]).wait()
            pltpu.make_async_copy(recv_hbm.at[pl.ds(0, BLK)],
                                  ridx[j], risem[j]).wait()
        for j in range(EBUF):
            pltpu.make_async_copy(recv_hbm.at[pl.ds(0, BLK)],
                                  eidx[j], eisem[j]).wait()
            pltpu.make_async_copy(edges_hbm.at[pl.ds(0, BLK)],
                                  erow[j], edsem[j]).wait()
        plsc.subcore_barrier()

        for t in range(ROWS_PER_TILE // BLK):
            off = s * ROWS_PER_TILE + t * BLK
            pltpu.sync_copy(acc.at[pl.ds(off, BLK)], rows[0])
            pltpu.sync_copy(rows[0], out_n.at[pl.ds(c * NPAD + off, BLK)])
            pltpu.sync_copy(eacc.at[pl.ds(off, BLK)], erow[0])
            pltpu.sync_copy(erow[0], out_e.at[pl.ds(c * NPAD + off, BLK)])

    return seg


def _tc_body(nodes_ref, sn_ref, se_ref, wm_ref, wnode_ref, w1_ref, b1_ref,
             w2_ref, b2_ref, lns_ref, lnb_ref, out_ref):
    f32 = jnp.float32
    hi = jax.lax.Precision.HIGHEST
    n = nodes_ref[...]
    sn = jnp.concatenate([sn_ref[0], sn_ref[1]], axis=-1)
    se = se_ref[0] + se_ref[1]
    agg = (jnp.dot(sn, wm_ref[:D_FEAT, :], precision=hi, preferred_element_type=f32)
           + jnp.dot(se, wm_ref[D_FEAT:, :], precision=hi, preferred_element_type=f32))
    h = (jnp.dot(n, w1_ref[:D_FEAT, :], precision=hi, preferred_element_type=f32)
         + jnp.dot(agg, w1_ref[D_FEAT:, :], precision=hi, preferred_element_type=f32)
         + b1_ref[...])
    h = jnp.maximum(h, 0.0)
    pre = (jnp.dot(h, w2_ref[...], precision=hi, preferred_element_type=f32)
           + b2_ref[...]
           + jnp.dot(n, wnode_ref[...], precision=hi, preferred_element_type=f32))
    mean = jnp.mean(pre, axis=-1, keepdims=True)
    cen = pre - mean
    var = jnp.mean(cen * cen, axis=-1, keepdims=True)
    out_ref[...] = cen * jax.lax.rsqrt(var + LN_EPS) * lns_ref[...] + lnb_ref[...]


def kernel(nodes, edges, W_message, W_node, mlp_W1, mlp_b1, mlp_W2, mlp_b2,
           ln_scale, ln_bias, senders, receivers):
    f32 = jnp.float32
    npad_e = ESTORE - N_EDGES
    senders_p = jnp.concatenate([senders, jnp.zeros((npad_e,), jnp.int32)])
    receivers_p = jnp.concatenate(
        [receivers, jnp.full((npad_e,), N_NODES, jnp.int32)])
    senders2 = jnp.concatenate([senders_p, senders_p + N_NODES])
    nodes_split = jnp.concatenate([nodes[:, :D_HALF], nodes[:, D_HALF:]], axis=0)

    sums_n, sums_e = _sc_segment_sums()(
        nodes_split, edges, senders2, receivers_p)
    sums_n = sums_n.reshape(NC, NPAD, D_HALF)
    sums_e = sums_e.reshape(NC, NPAD, D_EDGE)

    nodes_p = jnp.pad(nodes, ((0, NPAD - N_NODES), (0, 0)))

    bm = 512
    grid = NPAD // bm
    wcol = lambda i: (0, 0)
    out = pl.pallas_call(
        _tc_body,
        grid=(grid,),
        in_specs=[
            pl.BlockSpec((bm, D_FEAT), lambda i: (i, 0)),
            pl.BlockSpec((NC, bm, D_HALF), lambda i: (0, i, 0)),
            pl.BlockSpec((NC, bm, D_EDGE), lambda i: (0, i, 0)),
            pl.BlockSpec((D_FEAT + D_EDGE, D_FEAT), wcol),
            pl.BlockSpec((D_FEAT, D_FEAT), wcol),
            pl.BlockSpec((2 * D_FEAT, D_FEAT), wcol),
            pl.BlockSpec((1, D_FEAT), wcol),
            pl.BlockSpec((D_FEAT, D_FEAT), wcol),
            pl.BlockSpec((1, D_FEAT), wcol),
            pl.BlockSpec((1, D_FEAT), wcol),
            pl.BlockSpec((1, D_FEAT), wcol),
        ],
        out_specs=pl.BlockSpec((bm, D_FEAT), lambda i: (i, 0)),
        out_shape=jax.ShapeDtypeStruct((NPAD, D_FEAT), f32),
    )(nodes_p, sums_n, sums_e, W_message, W_node, mlp_W1,
      mlp_b1.reshape(1, -1), mlp_W2, mlp_b2.reshape(1, -1),
      ln_scale.reshape(1, -1), ln_bias.reshape(1, -1))
    return out[:N_NODES]

# --- scband reference (transcript-rebuilt; emitter-appended) ---
"""Pipeline reference for scband-linear-message-passing-layer-32109175505236 (READ-ONLY COPY).

The authoritative reference and input builder live on the scoring server;
editing this copy changes nothing except your own understanding.
"""

import jax, jax.numpy as jnp
import numpy as np

N_NODES = 10000
N_EDGES = 320000
D_FEAT = 128
D_EDGE = 16
D_MSG = 128
D_HID = 128
LN_EPS = 1e-6


def setup_inputs(seed: int = 0) -> dict:
    key = jax.random.key(seed)
    ks = jax.random.split(key, 10)
    nodes = jax.random.normal(ks[0], (N_NODES, D_FEAT), dtype=jnp.float32)
    edges = jax.random.normal(ks[1], (N_EDGES, D_EDGE), dtype=jnp.float32)
    senders = jax.random.randint(ks[2], (N_EDGES,), 0, N_NODES, dtype=jnp.int32)
    receivers = jnp.sort(jax.random.randint(ks[3], (N_EDGES,), 0, N_NODES, dtype=jnp.int32))
    # learned parameters (per init_kwargs: n_features_list_nodes=[128,128], n_features_list_messages=[128,128])
    W_message = jax.random.normal(ks[4], (D_FEAT + D_EDGE, D_MSG), dtype=jnp.float32) / np.sqrt(D_FEAT + D_EDGE)
    W_node = jax.random.normal(ks[5], (D_FEAT, D_HID), dtype=jnp.float32) / np.sqrt(D_FEAT)
    mlp_W1 = jax.random.normal(ks[6], (D_FEAT + D_MSG, D_HID), dtype=jnp.float32) / np.sqrt(D_FEAT + D_MSG)
    mlp_b1 = jnp.zeros((D_HID,), dtype=jnp.float32)
    mlp_W2 = jax.random.normal(ks[7], (D_HID, D_HID), dtype=jnp.float32) / np.sqrt(D_HID)
    mlp_b2 = jnp.zeros((D_HID,), dtype=jnp.float32)
    ln_scale = jnp.ones((D_HID,), dtype=jnp.float32)
    ln_bias = jnp.zeros((D_HID,), dtype=jnp.float32)
    return {
        "nodes": nodes,
        "edges": edges,
        "W_message": W_message,
        "W_node": W_node,
        "mlp_W1": mlp_W1,
        "mlp_b1": mlp_b1,
        "mlp_W2": mlp_W2,
        "mlp_b2": mlp_b2,
        "ln_scale": ln_scale,
        "ln_bias": ln_bias,
        "senders": senders,
        "receivers": receivers,
    }


def reference(nodes, edges, W_message, W_node, mlp_W1, mlp_b1, mlp_W2, mlp_b2, ln_scale, ln_bias, senders, receivers):
    total_nodes = nodes.shape[0]
    # message step: gather sender features, concat edge attrs, linear (no bias)
    sender_features = jnp.take(nodes, senders, axis=0)
    messageMLP_input = jnp.concatenate([sender_features, edges], axis=-1)
    messages_out = messageMLP_input @ W_message
    # aggregate by receiver
    aggregated_messages = jax.ops.segment_sum(data=messages_out, segment_ids=receivers, num_segments=total_nodes)
    # node update: ReluMLP([128,128]) = Dense+relu, Dense (linear last layer)
    nodeMLP_input = jnp.concatenate([nodes, aggregated_messages], axis=-1)
    h = jax.nn.relu(nodeMLP_input @ mlp_W1 + mlp_b1)
    nodes_out = h @ mlp_W2 + mlp_b2
    # residual linear + LayerNorm (flax defaults: eps=1e-6, learned scale and bias)
    pre = nodes @ W_node + nodes_out
    mean = jnp.mean(pre, axis=-1, keepdims=True)
    var = jnp.mean(jnp.square(pre - mean), axis=-1, keepdims=True)
    normed = (pre - mean) * jax.lax.rsqrt(var + LN_EPS)
    nodes_new = normed * ln_scale + ln_bias
    return nodes_new

if __name__ == "__main__":
    import jax
    _d = setup_inputs()
    print(jax.jit(kernel)(*tuple(_d.values())))

</pallas_src>

<mosaic_0001>
#map = affine_map<(d0, d1) -> (0, 0)>
#map1 = affine_map<(d0, d1) -> (0)>
module attributes {stable_mosaic.version = 14 : i64} {
  func.func @seg(%arg0: i32, %arg1: i32, %arg2: memref<20000x64xf32, #tpu.memory_space<hbm>>, %arg3: memref<320000x16xf32, #tpu.memory_space<hbm>>, %arg4: memref<656384xi32, #tpu.memory_space<hbm>>, %arg5: memref<328192xi32, #tpu.memory_space<hbm>>, %arg6: memref<20480x64xf32, #tpu.memory_space<hbm>>, %arg7: memref<20480x16xf32, #tpu.memory_space<hbm>>, %arg8: memref<128xi32, #tpu.memory_space<vmem>>, %arg9: memref<128xi32, #tpu.memory_space<vmem>>, %arg10: memref<128xi32, #tpu.memory_space<vmem>>, %arg11: memref<128xi32, #tpu.memory_space<vmem>>, %arg12: memref<128xi32, #tpu.memory_space<vmem>>, %arg13: memref<128xi32, #tpu.memory_space<vmem>>, %arg14: memref<128xi32, #tpu.memory_space<vmem>>, %arg15: memref<128xi32, #tpu.memory_space<vmem>>, %arg16: memref<128x64xf32, #tpu.memory_space<vmem>>, %arg17: memref<128x64xf32, #tpu.memory_space<vmem>>, %arg18: memref<128x64xf32, #tpu.memory_space<vmem>>, %arg19: memref<128x64xf32, #tpu.memory_space<vmem>>, %arg20: memref<128xi32, #tpu.memory_space<vmem>>, %arg21: memref<128xi32, #tpu.memory_space<vmem>>, %arg22: memref<128x16xf32, #tpu.memory_space<vmem>>, %arg23: memref<128x16xf32, #tpu.memory_space<vmem>>, %arg24: memref<10240x64xf32, #tpu.memory_space<vmem_shared>>, %arg25: memref<10240x16xf32, #tpu.memory_space<vmem_shared>>, %arg26: memref<!tpu.dma_semaphore, #tpu.memory_space<semaphore_mem>>, %arg27: memref<!tpu.dma_semaphore, #tpu.memory_space<semaphore_mem>>, %arg28: memref<!tpu.dma_semaphore, #tpu.memory_space<semaphore_mem>>, %arg29: memref<!tpu.dma_semaphore, #tpu.memory_space<semaphore_mem>>, %arg30: memref<!tpu.dma_semaphore, #tpu.memory_space<semaphore_mem>>, %arg31: memref<!tpu.dma_semaphore, #tpu.memory_space<semaphore_mem>>, %arg32: memref<!tpu.dma_semaphore, #tpu.memory_space<semaphore_mem>>, %arg33: memref<!tpu.dma_semaphore, #tpu.memory_space<semaphore_mem>>, %arg34: memref<!tpu.dma_semaphore, #tpu.memory_space<semaphore_mem>>, %arg35: memref<!tpu.dma_semaphore, #tpu.memory_space<semaphore_mem>>, %arg36: memref<!tpu.dma_semaphore, #tpu.memory_space<semaphore_mem>>, %arg37: memref<!tpu.dma_semaphore, #tpu.memory_space<semaphore_mem>>, %arg38: memref<!tpu.dma_semaphore, #tpu.memory_space<semaphore_mem>>, %arg39: memref<!tpu.dma_semaphore, #tpu.memory_space<semaphore_mem>>, %arg40: memref<!tpu.dma_semaphore, #tpu.memory_space<semaphore_mem>>, %arg41: memref<!tpu.dma_semaphore, #tpu.memory_space<semaphore_mem>>, %arg42: memref<!tpu.dma_semaphore, #tpu.memory_space<semaphore_mem>>, %arg43: memref<!tpu.dma_semaphore, #tpu.memory_space<semaphore_mem>>, %arg44: memref<!tpu.dma_semaphore, #tpu.memory_space<semaphore_mem>>, %arg45: memref<!tpu.dma_semaphore, #tpu.memory_space<semaphore_mem>>, %arg46: memref<!tpu.dma_semaphore, #tpu.memory_space<semaphore_mem>>, %arg47: memref<!tpu.dma_semaphore, #tpu.memory_space<semaphore_mem>>) attributes {dimension_semantics = [#tpu.dimension_semantics<core_parallel>, #tpu.dimension_semantics<subcore_parallel>], iteration_bounds = array<i64: 2, 16>, scalar_prefetch = 0 : i64, scratch_operands = 40 : i64, tpu.core_type = #tpu.core_type<sc_vector_subcore>, window_params = [{transform_indices = #map}, {transform_indices = #map}, {transform_indices = #map1}, {transform_indices = #map1}, {transform_indices = #map}, {transform_indices = #map}]} {
    %broadcast_in_dim3A = arith.constant 0.000000e+00 : f32
    %broadcast_in_dim3A_0 = vector.broadcast %broadcast_in_dim3A : f32 to vector<16xf32>
    %scan3A = arith.constant 0 : i32
    %scan3A_1 = arith.constant 0 : i32
    %scan3A_2 = arith.constant 128 : i32
    %scan3A_3 = arith.addi %scan3A_1, %scan3A_2 : i32
    %scan3A_4 = arith.constant 1 : i32
    scf.for %scan3A_196 = %scan3A_1 to %scan3A_3 step %scan3A_4  : i32 {
      %swap3A = arith.index_cast %scan3A_196 : i32 to index
      %swap3A_197 = arith.constant 0 : index
      %swap3A_198 = tpu.vector_load %arg16[%swap3A, %swap3A_197] {strides = array<i32>} : memref<128x64xf32, #tpu.memory_space<vmem>>, vector<1x16xf32>,
      %swap3A_199 = vector.shape_cast %swap3A_198 : vector<1x16xf32> to vector<16xf32>
      %swap3A_200 = vector.shape_cast %broadcast_in_dim3A_0 : vector<16xf32> to vector<1x16xf32>
      tpu.vector_store %arg16[%swap3A, %swap3A_197], %swap3A_200 {strides = array<i32>} : memref<128x64xf32, #tpu.memory_space<vmem>>, vector<1x16xf32>,
      %swap3A_201 = arith.index_cast %scan3A_196 : i32 to index
      %swap3A_202 = arith.constant 16 : index
      %swap3A_203 = tpu.vector_load %arg16[%swap3A_201, %swap3A_202] {strides = array<i32>} : memref<128x64xf32, #tpu.memory_space<vmem>>, vector<1x16xf32>,
      %swap3A_204 = vector.shape_cast %swap3A_203 : vector<1x16xf32> to vector<16xf32>
      %swap3A_205 = vector.shape_cast %broadcast_in_dim3A_0 : vector<16xf32> to vector<1x16xf32>
      tpu.vector_store %arg16[%swap3A_201, %swap3A_202], %swap3A_205 {strides = array<i32>} : memref<128x64xf32, #tpu.memory_space<vmem>>, vector<1x16xf32>,
      %swap3A_206 = arith.index_cast %scan3A_196 : i32 to index
      %swap3A_207 = arith.constant 32 : index
      %swap3A_208 = tpu.vector_load %arg16[%swap3A_206, %swap3A_207] {strides = array<i32>} : memref<128x64xf32, #tpu.memory_space<vmem>>, vector<1x16xf32>,
      %swap3A_209 = vector.shape_cast %swap3A_208 : vector<1x16xf32> to vector<16xf32>
      %swap3A_210 = vector.shape_cast %broadcast_in_dim3A_0 : vector<16xf32> to vector<1x16xf32>
      tpu.vector_store %arg16[%swap3A_206, %swap3A_207], %swap3A_210 {strides = array<i32>} : memref<128x64xf32, #tpu.memory_space<vmem>>, vector<1x16xf32>,
      %swap3A_211 = arith.index_cast %scan3A_196 : i32 to index
      %swap3A_212 = arith.constant 48 : index
      %swap3A_213 = tpu.vector_load %arg16[%swap3A_211, %swap3A_212] {strides = array<i32>} : memref<128x64xf32, #tpu.memory_space<vmem>>, vector<1x16xf32>,
      %swap3A_214 = vector.shape_cast %swap3A_213 : vector<1x16xf32> to vector<16xf32>
      %swap3A_215 = vector.shape_cast %broadcast_in_dim3A_0 : vector<16xf32> to vector<1x16xf32>
      tpu.vector_store %arg16[%swap3A_211, %swap3A_212], %swap3A_215 {strides = array<i32>} : memref<128x64xf32, #tpu.memory_space<vmem>>, vector<1x16xf32>,
      %swap3A_216 = arith.index_cast %scan3A_196 : i32 to index
      %swap3A_217 = arith.constant 0 : index
      %swap3A_218 = tpu.vector_load %arg22[%swap3A_216, %swap3A_217] {strides = array<i32>} : memref<128x16xf32, #tpu.memory_space<vmem>>, vector<1x16xf32>,
      %swap3A_219 = vector.shape_cast %swap3A_218 : vector<1x16xf32> to vector<16xf32>
      %swap3A_220 = vector.shape_cast %broadcast_in_dim3A_0 : vector<16xf32> to vector<1x16xf32>
      tpu.vector_store %arg22[%swap3A_216, %swap3A_217], %swap3A_220 {strides = array<i32>} : memref<128x16xf32, #tpu.memory_space<vmem>>, vector<1x16xf32>,
    }
    %scan3A_5 = arith.constant 128 : i32
    %mul3A = arith.constant 640 : i32
    %mul3A_6 = arith.muli %arg1, %mul3A : i32
    %add3A = arith.constant 0 : i32
    %add3A_7 = arith.addi %mul3A_6, %add3A : i32
    "tpu.region"() ({
      %run_scoped3A = tpu.sem_alloc : memref<!tpu.dma_semaphore, #tpu.memory_space<semaphore_mem>>
      %dma_start3A_196 = arith.constant 0 : i32
      %dma_start3A_197 = tpu.memref_slice %arg24[%add3A_7, %dma_start3A_196] : memref<10240x64xf32, #tpu.memory_space<vmem_shared>> -> memref<128x64xf32, #tpu.memory_space<vmem_shared>>
      %dma_start3A_198 = arith.constant 0 : i32
      %dma_start3A_199 = tpu.memref_slice %arg24[%add3A_7, %dma_start3A_198] : memref<10240x64xf32, #tpu.memory_space<vmem_shared>> -> memref<128x64xf32, #tpu.memory_space<vmem_shared>>
      tpu.enqueue_dma source(%arg16 : memref<128x64xf32, #tpu.memory_space<vmem>>) target(%dma_start3A_199 : memref<128x64xf32, #tpu.memory_space<vmem_shared>>) target_semaphore(%run_scoped3A : memref<!tpu.dma_semaphore, #tpu.memory_space<semaphore_mem>>)
      %dma_wait3A_200 = arith.constant 0 : i32
      %dma_wait3A_201 = tpu.memref_slice %arg24[%add3A_7, %dma_wait3A_200] : memref<10240x64xf32, #tpu.memory_space<vmem_shared>> -> memref<128x64xf32, #tpu.memory_space<vmem_shared>>
      %dma_wait3A_202 = arith.constant 0 : i32
      %dma_wait3A_203 = tpu.memref_slice %arg24[%add3A_7, %dma_wait3A_202] : memref<10240x64xf32, #tpu.memory_space<vmem_shared>> -> memref<128x64xf32, #tpu.memory_space<vmem_shared>>
      tpu.wait_dma2 semaphore(%run_scoped3A : memref<!tpu.dma_semaphore, #tpu.memory_space<semaphore_mem>>) src(%arg16 : memref<128x64xf32, #tpu.memory_space<vmem>>) dst(%dma_wait3A_203 : memref<128x64xf32, #tpu.memory_space<vmem_shared>>)
      tpu.yield
    }) : () -> ()
    "tpu.region"() ({
      %run_scoped3A = tpu.sem_alloc : memref<!tpu.dma_semaphore, #tpu.memory_space<semaphore_mem>>
      %dma_start3A_196 = arith.constant 0 : i32
      %dma_start3A_197 = tpu.memref_slice %arg25[%add3A_7, %dma_start3A_196] : memref<10240x16xf32, #tpu.memory_space<vmem_shared>> -> memref<128x16xf32, #tpu.memory_space<vmem_shared>>
      %dma_start3A_198 = arith.constant 0 : i32
      %dma_start3A_199 = tpu.memref_slice %arg25[%add3A_7, %dma_start3A_198] : memref<10240x16xf32, #tpu.memory_space<vmem_shared>> -> memref<128x16xf32, #tpu.memory_space<vmem_shared>>
      tpu.enqueue_dma source(%arg22 : memref<128x16xf32, #tpu.memory_space<vmem>>) target(%dma_start3A_199 : memref<128x16xf32, #tpu.memory_space<vmem_shared>>) target_semaphore(%run_scoped3A : memref<!tpu.dma_semaphore, #tpu.memory_space<semaphore_mem>>)
      %dma_wait3A_200 = arith.constant 0 : i32
      %dma_wait3A_201 = tpu.memref_slice %arg25[%add3A_7, %dma_wait3A_200] : memref<10240x16xf32, #tpu.memory_space<vmem_shared>> -> memref<128x16xf32, #tpu.memory_space<vmem_shared>>
      %dma_wait3A_202 = arith.constant 0 : i32
      %dma_wait3A_203 = tpu.memref_slice %arg25[%add3A_7, %dma_wait3A_202] : memref<10240x16xf32, #tpu.memory_space<vmem_shared>> -> memref<128x16xf32, #tpu.memory_space<vmem_shared>>
      tpu.wait_dma2 semaphore(%run_scoped3A : memref<!tpu.dma_semaphore, #tpu.memory_space<semaphore_mem>>) src(%arg22 : memref<128x16xf32, #tpu.memory_space<vmem>>) dst(%dma_wait3A_203 : memref<128x16xf32, #tpu.memory_space<vmem_shared>>)
      tpu.yield
    }) : () -> ()
    %mul3A_8 = arith.constant 640 : i32
    %mul3A_9 = arith.muli %arg1, %mul3A_8 : i32
    %add3A_10 = arith.constant 128 : i32
    %add3A_11 = arith.addi %mul3A_9, %add3A_10 : i32
    "tpu.region"() ({
      %run_scoped3A = tpu.sem_alloc : memref<!tpu.dma_semaphore, #tpu.memory_space<semaphore_mem>>
      %dma_start3A_196 = arith.constant 0 : i32
      %dma_start3A_197 = tpu.memref_slice %arg24[%add3A_11, %dma_start3A_196] : memref<10240x64xf32, #tpu.memory_space<vmem_shared>> -> memref<128x64xf32, #tpu.memory_space<vmem_shared>>
      %dma_start3A_198 = arith.constant 0 : i32
      %dma_start3A_199 = tpu.memref_slice %arg24[%add3A_11, %dma_start3A_198] : memref<10240x64xf32, #tpu.memory_space<vmem_shared>> -> memref<128x64xf32, #tpu.memory_space<vmem_shared>>
      tpu.enqueue_dma source(%arg16 : memref<128x64xf32, #tpu.memory_space<vmem>>) target(%dma_start3A_199 : memref<128x64xf32, #tpu.memory_space<vmem_shared>>) target_semaphore(%run_scoped3A : memref<!tpu.dma_semaphore, #tpu.memory_space<semaphore_mem>>)
      %dma_wait3A_200 = arith.constant 0 : i32
      %dma_wait3A_201 = tpu.memref_slice %arg24[%add3A_11, %dma_wait3A_200] : memref<10240x64xf32, #tpu.memory_space<vmem_shared>> -> memref<128x64xf32, #tpu.memory_space<vmem_shared>>
      %dma_wait3A_202 = arith.constant 0 : i32
      %dma_wait3A_203 = tpu.memref_slice %arg24[%add3A_11, %dma_wait3A_202] : memref<10240x64xf32, #tpu.memory_space<vmem_shared>> -> memref<128x64xf32, #tpu.memory_space<vmem_shared>>
      tpu.wait_dma2 semaphore(%run_scoped3A : memref<!tpu.dma_semaphore, #tpu.memory_space<semaphore_mem>>) src(%arg16 : memref<128x64xf32, #tpu.memory_space<vmem>>) dst(%dma_wait3A_203 : memref<128x64xf32, #tpu.memory_space<vmem_shared>>)
      tpu.yield
    }) : () -> ()
    "tpu.region"() ({
      %run_scoped3A = tpu.sem_alloc : memref<!tpu.dma_semaphore, #tpu.memory_space<semaphore_mem>>
      %dma_start3A_196 = arith.constant 0 : i32
      %dma_start3A_197 = tpu.memref_slice %arg25[%add3A_11, %dma_start3A_196] : memref<10240x16xf32, #tpu.memory_space<vmem_shared>> -> memref<128x16xf32, #tpu.memory_space<vmem_shared>>
      %dma_start3A_198 = arith.constant 0 : i32
      %dma_start3A_199 = tpu.memref_slice %arg25[%add3A_11, %dma_start3A_198] : memref<10240x16xf32, #tpu.memory_space<vmem_shared>> -> memref<128x16xf32, #tpu.memory_space<vmem_shared>>
      tpu.enqueue_dma source(%arg22 : memref<128x16xf32, #tpu.memory_space<vmem>>) target(%dma_start3A_199 : memref<128x16xf32, #tpu.memory_space<vmem_shared>>) target_semaphore(%run_scoped3A : memref<!tpu.dma_semaphore, #tpu.memory_space<semaphore_mem>>)
      %dma_wait3A_200 = arith.constant 0 : i32
      %dma_wait3A_201 = tpu.memref_slice %arg25[%add3A_11, %dma_wait3A_200] : memref<10240x16xf32, #tpu.memory_space<vmem_shared>> -> memref<128x16xf32, #tpu.memory_space<vmem_shared>>
      %dma_wait3A_202 = arith.constant 0 : i32
      %dma_wait3A_203 = tpu.memref_slice %arg25[%add3A_11, %dma_wait3A_202] : memref<10240x16xf32, #tpu.memory_space<vmem_shared>> -> memref<128x16xf32, #tpu.memory_space<vmem_shared>>
      tpu.wait_dma2 semaphore(%run_scoped3A : memref<!tpu.dma_semaphore, #tpu.memory_space<semaphore_mem>>) src(%arg22 : memref<128x16xf32, #tpu.memory_space<vmem>>) dst(%dma_wait3A_203 : memref<128x16xf32, #tpu.memory_space<vmem_shared>>)
      tpu.yield
    }) : () -> ()
    %mul3A_12 = arith.constant 640 : i32
    %mul3A_13 = arith.muli %arg1, %mul3A_12 : i32
    %add3A_14 = arith.constant 256 : i32
    %add3A_15 = arith.addi %mul3A_13, %add3A_14 : i32
    "tpu.region"() ({
      %run_scoped3A = tpu.sem_alloc : memref<!tpu.dma_semaphore, #tpu.memory_space<semaphore_mem>>
      %dma_start3A_196 = arith.constant 0 : i32
      %dma_start3A_197 = tpu.memref_slice %arg24[%add3A_15, %dma_start3A_196] : memref<10240x64xf32, #tpu.memory_space<vmem_shared>> -> memref<128x64xf32, #tpu.memory_space<vmem_shared>>
      %dma_start3A_198 = arith.constant 0 : i32
      %dma_start3A_199 = tpu.memref_slice %arg24[%add3A_15, %dma_start3A_198] : memref<10240x64xf32, #tpu.memory_space<vmem_shared>> -> memref<128x64xf32, #tpu.memory_space<vmem_shared>>
      tpu.enqueue_dma source(%arg16 : memref<128x64xf32, #tpu.memory_space<vmem>>) target(%dma_start3A_199 : memref<128x64xf32, #tpu.memory_space<vmem_shared>>) target_semaphore(%run_scoped3A : memref<!tpu.dma_semaphore, #tpu.memory_space<semaphore_mem>>)
      %dma_wait3A_200 = arith.constant 0 : i32
      %dma_wait3A_201 = tpu.memref_slice %arg24[%add3A_15, %dma_wait3A_200] : memref<10240x64xf32, #tpu.memory_space<vmem_shared>> -> memref<128x64xf32, #tpu.memory_space<vmem_shared>>
      %dma_wait3A_202 = arith.constant 0 : i32
      %dma_wait3A_203 = tpu.memref_slice %arg24[%add3A_15, %dma_wait3A_202] : memref<10240x64xf32, #tpu.memory_space<vmem_shared>> -> memref<128x64xf32, #tpu.memory_space<vmem_shared>>
      tpu.wait_dma2 semaphore(%run_scoped3A : memref<!tpu.dma_semaphore, #tpu.memory_space<semaphore_mem>>) src(%arg16 : memref<128x64xf32, #tpu.memory_space<vmem>>) dst(%dma_wait3A_203 : memref<128x64xf32, #tpu.memory_space<vmem_shared>>)
      tpu.yield
    }) : () -> ()
    "tpu.region"() ({
      %run_scoped3A = tpu.sem_alloc : memref<!tpu.dma_semaphore, #tpu.memory_space<semaphore_mem>>
      %dma_start3A_196 = arith.constant 0 : i32
      %dma_start3A_197 = tpu.memref_slice %arg25[%add3A_15, %dma_start3A_196] : memref<10240x16xf32, #tpu.memory_space<vmem_shared>> -> memref<128x16xf32, #tpu.memory_space<vmem_shared>>
      %dma_start3A_198 = arith.constant 0 : i32
      %dma_start3A_199 = tpu.memref_slice %arg25[%add3A_15, %dma_start3A_198] : memref<10240x16xf32, #tpu.memory_space<vmem_shared>> -> memref<128x16xf32, #tpu.memory_space<vmem_shared>>
      tpu.enqueue_dma source(%arg22 : memref<128x16xf32, #tpu.memory_space<vmem>>) target(%dma_start3A_199 : memref<128x16xf32, #tpu.memory_space<vmem_shared>>) target_semaphore(%run_scoped3A : memref<!tpu.dma_semaphore, #tpu.memory_space<semaphore_mem>>)
      %dma_wait3A_200 = arith.constant 0 : i32
      %dma_wait3A_201 = tpu.memref_slice %arg25[%add3A_15, %dma_wait3A_200] : memref<10240x16xf32, #tpu.memory_space<vmem_shared>> -> memref<128x16xf32, #tpu.memory_space<vmem_shared>>
      %dma_wait3A_202 = arith.constant 0 : i32
      %dma_wait3A_203 = tpu.memref_slice %arg25[%add3A_15, %dma_wait3A_202] : memref<10240x16xf32, #tpu.memory_space<vmem_shared>> -> memref<128x16xf32, #tpu.memory_space<vmem_shared>>
      tpu.wait_dma2 semaphore(%run_scoped3A : memref<!tpu.dma_semaphore, #tpu.memory_space<semaphore_mem>>) src(%arg22 : memref<128x16xf32, #tpu.memory_space<vmem>>) dst(%dma_wait3A_203 : memref<128x16xf32, #tpu.memory_space<vmem_shared>>)
      tpu.yield
    }) : () -> ()
    %mul3A_16 = arith.constant 640 : i32
    %mul3A_17 = arith.muli %arg1, %mul3A_16 : i32
    %add3A_18 = arith.constant 384 : i32
    %add3A_19 = arith.addi %mul3A_17, %add3A_18 : i32
    "tpu.region"() ({
      %run_scoped3A = tpu.sem_alloc : memref<!tpu.dma_semaphore, #tpu.memory_space<semaphore_mem>>
      %dma_start3A_196 = arith.constant 0 : i32
      %dma_start3A_197 = tpu.memref_slice %arg24[%add3A_19, %dma_start3A_196] : memref<10240x64xf32, #tpu.memory_space<vmem_shared>> -> memref<128x64xf32, #tpu.memory_space<vmem_shared>>
      %dma_start3A_198 = arith.constant 0 : i32
      %dma_start3A_199 = tpu.memref_slice %arg24[%add3A_19, %dma_start3A_198] : memref<10240x64xf32, #tpu.memory_space<vmem_shared>> -> memref<128x64xf32, #tpu.memory_space<vmem_shared>>
      tpu.enqueue_dma source(%arg16 : memref<128x64xf32, #tpu.memory_space<vmem>>) target(%dma_start3A_199 : memref<128x64xf32, #tpu.memory_space<vmem_shared>>) target_semaphore(%run_scoped3A : memref<!tpu.dma_semaphore, #tpu.memory_space<semaphore_mem>>)
      %dma_wait3A_200 = arith.constant 0 : i32
      %dma_wait3A_201 = tpu.memref_slice %arg24[%add3A_19, %dma_wait3A_200] : memref<10240x64xf32, #tpu.memory_space<vmem_shared>> -> memref<128x64xf32, #tpu.memory_space<vmem_shared>>
      %dma_wait3A_202 = arith.constant 0 : i32
      %dma_wait3A_203 = tpu.memref_slice %arg24[%add3A_19, %dma_wait3A_202] : memref<10240x64xf32, #tpu.memory_space<vmem_shared>> -> memref<128x64xf32, #tpu.memory_space<vmem_shared>>
      tpu.wait_dma2 semaphore(%run_scoped3A : memref<!tpu.dma_semaphore, #tpu.memory_space<semaphore_mem>>) src(%arg16 : memref<128x64xf32, #tpu.memory_space<vmem>>) dst(%dma_wait3A_203 : memref<128x64xf32, #tpu.memory_space<vmem_shared>>)
      tpu.yield
    }) : () -> ()
    "tpu.region"() ({
      %run_scoped3A = tpu.sem_alloc : memref<!tpu.dma_semaphore, #tpu.memory_space<semaphore_mem>>
      %dma_start3A_196 = arith.constant 0 : i32
      %dma_start3A_197 = tpu.memref_slice %arg25[%add3A_19, %dma_start3A_196] : memref<10240x16xf32, #tpu.memory_space<vmem_shared>> -> memref<128x16xf32, #tpu.memory_space<vmem_shared>>
      %dma_start3A_198 = arith.constant 0 : i32
      %dma_start3A_199 = tpu.memref_slice %arg25[%add3A_19, %dma_start3A_198] : memref<10240x16xf32, #tpu.memory_space<vmem_shared>> -> memref<128x16xf32, #tpu.memory_space<vmem_shared>>
      tpu.enqueue_dma source(%arg22 : memref<128x16xf32, #tpu.memory_space<vmem>>) target(%dma_start3A_199 : memref<128x16xf32, #tpu.memory_space<vmem_shared>>) target_semaphore(%run_scoped3A : memref<!tpu.dma_semaphore, #tpu.memory_space<semaphore_mem>>)
      %dma_wait3A_200 = arith.constant 0 : i32
      %dma_wait3A_201 = tpu.memref_slice %arg25[%add3A_19, %dma_wait3A_200] : memref<10240x16xf32, #tpu.memory_space<vmem_shared>> -> memref<128x16xf32, #tpu.memory_space<vmem_shared>>
      %dma_wait3A_202 = arith.constant 0 : i32
      %dma_wait3A_203 = tpu.memref_slice %arg25[%add3A_19, %dma_wait3A_202] : memref<10240x16xf32, #tpu.memory_space<vmem_shared>> -> memref<128x16xf32, #tpu.memory_space<vmem_shared>>
      tpu.wait_dma2 semaphore(%run_scoped3A : memref<!tpu.dma_semaphore, #tpu.memory_space<semaphore_mem>>) src(%arg22 : memref<128x16xf32, #tpu.memory_space<vmem>>) dst(%dma_wait3A_203 : memref<128x16xf32, #tpu.memory_space<vmem_shared>>)
      tpu.yield
    }) : () -> ()
    %mul3A_20 = arith.constant 640 : i32
    %mul3A_21 = arith.muli %arg1, %mul3A_20 : i32
    %add3A_22 = arith.constant 512 : i32
    %add3A_23 = arith.addi %mul3A_21, %add3A_22 : i32
    "tpu.region"() ({
      %run_scoped3A = tpu.sem_alloc : memref<!tpu.dma_semaphore, #tpu.memory_space<semaphore_mem>>
      %dma_start3A_196 = arith.constant 0 : i32
      %dma_start3A_197 = tpu.memref_slice %arg24[%add3A_23, %dma_start3A_196] : memref<10240x64xf32, #tpu.memory_space<vmem_shared>> -> memref<128x64xf32, #tpu.memory_space<vmem_shared>>
      %dma_start3A_198 = arith.constant 0 : i32
      %dma_start3A_199 = tpu.memref_slice %arg24[%add3A_23, %dma_start3A_198] : memref<10240x64xf32, #tpu.memory_space<vmem_shared>> -> memref<128x64xf32, #tpu.memory_space<vmem_shared>>
      tpu.enqueue_dma source(%arg16 : memref<128x64xf32, #tpu.memory_space<vmem>>) target(%dma_start3A_199 : memref<128x64xf32, #tpu.memory_space<vmem_shared>>) target_semaphore(%run_scoped3A : memref<!tpu.dma_semaphore, #tpu.memory_space<semaphore_mem>>)
      %dma_wait3A_200 = arith.constant 0 : i32
      %dma_wait3A_201 = tpu.memref_slice %arg24[%add3A_23, %dma_wait3A_200] : memref<10240x64xf32, #tpu.memory_space<vmem_shared>> -> memref<128x64xf32, #tpu.memory_space<vmem_shared>>
      %dma_wait3A_202 = arith.constant 0 : i32
      %dma_wait3A_203 = tpu.memref_slice %arg24[%add3A_23, %dma_wait3A_202] : memref<10240x64xf32, #tpu.memory_space<vmem_shared>> -> memref<128x64xf32, #tpu.memory_space<vmem_shared>>
      tpu.wait_dma2 semaphore(%run_scoped3A : memref<!tpu.dma_semaphore, #tpu.memory_space<semaphore_mem>>) src(%arg16 : memref<128x64xf32, #tpu.memory_space<vmem>>) dst(%dma_wait3A_203 : memref<128x64xf32, #tpu.memory_space<vmem_shared>>)
      tpu.yield
    }) : () -> ()
    "tpu.region"() ({
      %run_scoped3A = tpu.sem_alloc : memref<!tpu.dma_semaphore, #tpu.memory_space<semaphore_mem>>
      %dma_start3A_196 = arith.constant 0 : i32
      %dma_start3A_197 = tpu.memref_slice %arg25[%add3A_23, %dma_start3A_196] : memref<10240x16xf32, #tpu.memory_space<vmem_shared>> -> memref<128x16xf32, #tpu.memory_space<vmem_shared>>
      %dma_start3A_198 = arith.constant 0 : i32
      %dma_start3A_199 = tpu.memref_slice %arg25[%add3A_23, %dma_start3A_198] : memref<10240x16xf32, #tpu.memory_space<vmem_shared>> -> memref<128x16xf32, #tpu.memory_space<vmem_shared>>
      tpu.enqueue_dma source(%arg22 : memref<128x16xf32, #tpu.memory_space<vmem>>) target(%dma_start3A_199 : memref<128x16xf32, #tpu.memory_space<vmem_shared>>) target_semaphore(%run_scoped3A : memref<!tpu.dma_semaphore, #tpu.memory_space<semaphore_mem>>)
      %dma_wait3A_200 = arith.constant 0 : i32
      %dma_wait3A_201 = tpu.memref_slice %arg25[%add3A_23, %dma_wait3A_200] : memref<10240x16xf32, #tpu.memory_space<vmem_shared>> -> memref<128x16xf32, #tpu.memory_space<vmem_shared>>
      %dma_wait3A_202 = arith.constant 0 : i32
      %dma_wait3A_203 = tpu.memref_slice %arg25[%add3A_23, %dma_wait3A_202] : memref<10240x16xf32, #tpu.memory_space<vmem_shared>> -> memref<128x16xf32, #tpu.memory_space<vmem_shared>>
      tpu.wait_dma2 semaphore(%run_scoped3A : memref<!tpu.dma_semaphore, #tpu.memory_space<semaphore_mem>>) src(%arg22 : memref<128x16xf32, #tpu.memory_space<vmem>>) dst(%dma_wait3A_203 : memref<128x16xf32, #tpu.memory_space<vmem_shared>>)
      tpu.yield
    }) : () -> ()
    %barrier3A = arith.constant 0 : index
    tpu.barrier barrier_id(%barrier3A)
    %mul3A_24 = arith.constant 20480 : i32
    %mul3A_25 = arith.muli %arg1, %mul3A_24 : i32
    %mul3A_26 = arith.constant 328192 : i32
    %mul3A_27 = arith.muli %arg0, %mul3A_26 : i32
    %add3A_28 = arith.addi %mul3A_27, %mul3A_25 : i32
    %mul3A_29 = arith.constant 2 : i32
    %mul3A_30 = arith.muli %mul3A_29, %arg1 : i32
    %add3A_31 = arith.addi %mul3A_30, %arg0 : i32
    %mul3A_32 = arith.constant 10240 : i32
    %mul3A_33 = arith.muli %add3A_31, %mul3A_32 : i32
    %add3A_34 = arith.constant 0 : i32
    %add3A_35 = arith.addi %add3A_28, %add3A_34 : i32
    %dma_start3A = tpu.memref_slice %arg4[%add3A_35] : memref<656384xi32, #tpu.memory_space<hbm>> -> memref<128xi32, #tpu.memory_space<hbm>>
    %dma_start3A_36 = tpu.memref_slice %arg4[%add3A_35] : memref<656384xi32, #tpu.memory_space<hbm>> -> memref<128xi32, #tpu.memory_space<hbm>>
    tpu.enqueue_dma source(%dma_start3A_36 : memref<128xi32, #tpu.memory_space<hbm>>) target(%arg8 : memref<128xi32, #tpu.memory_space<vmem>>) target_semaphore(%arg26 : memref<!tpu.dma_semaphore, #tpu.memory_space<semaphore_mem>>)
    %add3A_37 = arith.constant 0 : i32
    %add3A_38 = arith.addi %mul3A_25, %add3A_37 : i32
    %dma_start3A_39 = tpu.memref_slice %arg5[%add3A_38] : memref<328192xi32, #tpu.memory_space<hbm>> -> memref<128xi32, #tpu.memory_space<hbm>>
    %dma_start3A_40 = tpu.memref_slice %arg5[%add3A_38] : memref<328192xi32, #tpu.memory_space<hbm>> -> memref<128xi32, #tpu.memory_space<hbm>>
    tpu.enqueue_dma source(%dma_start3A_40 : memref<128xi32, #tpu.memory_space<hbm>>) target(%arg12 : memref<128xi32, #tpu.memory_space<vmem>>) target_semaphore(%arg30 : memref<!tpu.dma_semaphore, #tpu.memory_space<semaphore_mem>>)
    %add3A_41 = arith.constant 128 : i32
    %add3A_42 = arith.addi %add3A_28, %add3A_41 : i32
    %dma_start3A_43 = tpu.memref_slice %arg4[%add3A_42] : memref<656384xi32, #tpu.memory_space<hbm>> -> memref<128xi32, #tpu.memory_space<hbm>>
    %dma_start3A_44 = tpu.memref_slice %arg4[%add3A_42] : memref<656384xi32, #tpu.memory_space<hbm>> -> memref<128xi32, #tpu.memory_space<hbm>>
    tpu.enqueue_dma source(%dma_start3A_44 : memref<128xi32, #tpu.memory_space<hbm>>) target(%arg9 : memref<128xi32, #tpu.memory_space<vmem>>) target_semaphore(%arg27 : memref<!tpu.dma_semaphore, #tpu.memory_space<semaphore_mem>>)
    %add3A_45 = arith.constant 128 : i32
    %add3A_46 = arith.addi %mul3A_25, %add3A_45 : i32
    %dma_start3A_47 = tpu.memref_slice %arg5[%add3A_46] : memref<328192xi32, #tpu.memory_space<hbm>> -> memref<128xi32, #tpu.memory_space<hbm>>
    %dma_start3A_48 = tpu.memref_slice %arg5[%add3A_46] : memref<328192xi32, #tpu.memory_space<hbm>> -> memref<128xi32, #tpu.memory_space<hbm>>
    tpu.enqueue_dma source(%dma_start3A_48 : memref<128xi32, #tpu.memory_space<hbm>>) target(%arg13 : memref<128xi32, #tpu.memory_space<vmem>>) target_semaphore(%arg31 : memref<!tpu.dma_semaphore, #tpu.memory_space<semaphore_mem>>)
    %add3A_49 = arith.constant 256 : i32
    %add3A_50 = arith.addi %add3A_28, %add3A_49 : i32
    %dma_start3A_51 = tpu.memref_slice %arg4[%add3A_50] : memref<656384xi32, #tpu.memory_space<hbm>> -> memref<128xi32, #tpu.memory_space<hbm>>
    %dma_start3A_52 = tpu.memref_slice %arg4[%add3A_50] : memref<656384xi32, #tpu.memory_space<hbm>> -> memref<128xi32, #tpu.memory_space<hbm>>
    tpu.enqueue_dma source(%dma_start3A_52 : memref<128xi32, #tpu.memory_space<hbm>>) target(%arg10 : memref<128xi32, #tpu.memory_space<vmem>>) target_semaphore(%arg28 : memref<!tpu.dma_semaphore, #tpu.memory_space<semaphore_mem>>)
    %add3A_53 = arith.constant 256 : i32
    %add3A_54 = arith.addi %mul3A_25, %add3A_53 : i32
    %dma_start3A_55 = tpu.memref_slice %arg5[%add3A_54] : memref<328192xi32, #tpu.memory_space<hbm>> -> memref<128xi32, #tpu.memory_space<hbm>>
    %dma_start3A_56 = tpu.memref_slice %arg5[%add3A_54] : memref<328192xi32, #tpu.memory_space<hbm>> -> memref<128xi32, #tpu.memory_space<hbm>>
    tpu.enqueue_dma source(%dma_start3A_56 : memref<128xi32, #tpu.memory_space<hbm>>) target(%arg14 : memref<128xi32, #tpu.memory_space<vmem>>) target_semaphore(%arg32 : memref<!tpu.dma_semaphore, #tpu.memory_space<semaphore_mem>>)
    %add3A_57 = arith.constant 384 : i32
    %add3A_58 = arith.addi %add3A_28, %add3A_57 : i32
    %dma_start3A_59 = tpu.memref_slice %arg4[%add3A_58] : memref<656384xi32, #tpu.memory_space<hbm>> -> memref<128xi32, #tpu.memory_space<hbm>>
    %dma_start3A_60 = tpu.memref_slice %arg4[%add3A_58] : memref<656384xi32, #tpu.memory_space<hbm>> -> memref<128xi32, #tpu.memory_space<hbm>>
    tpu.enqueue_dma source(%dma_start3A_60 : memref<128xi32, #tpu.memory_space<hbm>>) target(%arg11 : memref<128xi32, #tpu.memory_space<vmem>>) target_semaphore(%arg29 : memref<!tpu.dma_semaphore, #tpu.memory_space<semaphore_mem>>)
    %add3A_61 = arith.constant 384 : i32
    %add3A_62 = arith.addi %mul3A_25, %add3A_61 : i32
    %dma_start3A_63 = tpu.memref_slice %arg5[%add3A_62] : memref<328192xi32, #tpu.memory_space<hbm>> -> memref<128xi32, #tpu.memory_space<hbm>>
    %dma_start3A_64 = tpu.memref_slice %arg5[%add3A_62] : memref<328192xi32, #tpu.memory_space<hbm>> -> memref<128xi32, #tpu.memory_space<hbm>>
    tpu.enqueue_dma source(%dma_start3A_64 : memref<128xi32, #tpu.memory_space<hbm>>) target(%arg15 : memref<128xi32, #tpu.memory_space<vmem>>) target_semaphore(%arg33 : memref<!tpu.dma_semaphore, #tpu.memory_space<semaphore_mem>>)
    %add3A_65 = arith.constant 0 : i32
    %add3A_66 = arith.addi %mul3A_33, %add3A_65 : i32
    %min3A = arith.constant 319872 : i32
    %min3A_67 = arith.minsi %add3A_66, %min3A : i32
    %add3A_68 = arith.constant 0 : i32
    %add3A_69 = arith.addi %mul3A_33, %add3A_68 : i32
    %dma_start3A_70 = tpu.memref_slice %arg5[%add3A_69] : memref<328192xi32, #tpu.memory_space<hbm>> -> memref<128xi32, #tpu.memory_space<hbm>>
    %dma_start3A_71 = tpu.memref_slice %arg5[%add3A_69] : memref<328192xi32, #tpu.memory_space<hbm>> -> memref<128xi32, #tpu.memory_space<hbm>>
    tpu.enqueue_dma source(%dma_start3A_71 : memref<128xi32, #tpu.memory_space<hbm>>) target(%arg20 : memref<128xi32, #tpu.memory_space<vmem>>) target_semaphore(%arg42 : memref<!tpu.dma_semaphore, #tpu.memory_space<semaphore_mem>>)
    %dma_start3A_72 = arith.constant 0 : i32
    %dma_start3A_73 = tpu.memref_slice %arg3[%min3A_67, %dma_start3A_72] : memref<320000x16xf32, #tpu.memory_space<hbm>> -> memref<128x16xf32, #tpu.memory_space<hbm>>
    %dma_start3A_74 = arith.constant 0 : i32
    %dma_start3A_75 = tpu.memref_slice %arg3[%min3A_67, %dma_start3A_74] : memref<320000x16xf32, #tpu.memory_space<hbm>> -> memref<128x16xf32, #tpu.memory_space<hbm>>
    tpu.enqueue_dma source(%dma_start3A_75 : memref<128x16xf32, #tpu.memory_space<hbm>>) target(%arg22 : memref<128x16xf32, #tpu.memory_space<vmem>>) target_semaphore(%arg44 : memref<!tpu.dma_semaphore, #tpu.memory_space<semaphore_mem>>)
    %add3A_76 = arith.constant 128 : i32
    %add3A_77 = arith.addi %mul3A_33, %add3A_76 : i32
    %min3A_78 = arith.constant 319872 : i32
    %min3A_79 = arith.minsi %add3A_77, %min3A_78 : i32
    %add3A_80 = arith.constant 128 : i32
    %add3A_81 = arith.addi %mul3A_33, %add3A_80 : i32
    %dma_start3A_82 = tpu.memref_slice %arg5[%add3A_81] : memref<328192xi32, #tpu.memory_space<hbm>> -> memref<128xi32, #tpu.memory_space<hbm>>
    %dma_start3A_83 = tpu.memref_slice %arg5[%add3A_81] : memref<328192xi32, #tpu.memory_space<hbm>> -> memref<128xi32, #tpu.memory_space<hbm>>
    tpu.enqueue_dma source(%dma_start3A_83 : memref<128xi32, #tpu.memory_space<hbm>>) target(%arg21 : memref<128xi32, #tpu.memory_space<vmem>>) target_semaphore(%arg43 : memref<!tpu.dma_semaphore, #tpu.memory_space<semaphore_mem>>)
    %dma_start3A_84 = arith.constant 0 : i32
    %dma_start3A_85 = tpu.memref_slice %arg3[%min3A_79, %dma_start3A_84] : memref<320000x16xf32, #tpu.memory_space<hbm>> -> memref<128x16xf32, #tpu.memory_space<hbm>>
    %dma_start3A_86 = arith.constant 0 : i32
    %dma_start3A_87 = tpu.memref_slice %arg3[%min3A_79, %dma_start3A_86] : memref<320000x16xf32, #tpu.memory_space<hbm>> -> memref<128x16xf32, #tpu.memory_space<hbm>>
    tpu.enqueue_dma source(%dma_start3A_87 : memref<128x16xf32, #tpu.memory_space<hbm>>) target(%arg23 : memref<128x16xf32, #tpu.memory_space<vmem>>) target_semaphore(%arg45 : memref<!tpu.dma_semaphore, #tpu.memory_space<semaphore_mem>>)
    %scan3A_88 = arith.constant 0 : i32
    %scan3A_89 = arith.constant 0 : i32
    %scan3A_90 = arith.constant 40 : i32
    %scan3A_91 = arith.addi %scan3A_89, %scan3A_90 : i32
    %scan3A_92 = arith.constant 1 : i32
    scf.for %scan3A_196 = %scan3A_89 to %scan3A_91 step %scan3A_92  : i32 {
      %dma_wait3A_197 = arith.constant 0 : i32
      %dma_wait3A_198 = tpu.memref_slice %arg4[%dma_wait3A_197] : memref<656384xi32, #tpu.memory_space<hbm>> -> memref<128xi32, #tpu.memory_space<hbm>>
      %dma_wait3A_199 = arith.constant 0 : i32
      %dma_wait3A_200 = tpu.memref_slice %arg4[%dma_wait3A_199] : memref<656384xi32, #tpu.memory_space<hbm>> -> memref<128xi32, #tpu.memory_space<hbm>>
      tpu.wait_dma2 semaphore(%arg26 : memref<!tpu.dma_semaphore, #tpu.memory_space<semaphore_mem>>) src(%dma_wait3A_200 : memref<128xi32, #tpu.memory_space<hbm>>) dst(%arg8 : memref<128xi32, #tpu.memory_space<vmem>>)
      %dma_start3A_201 = arith.constant 0 : i32
      %dma_start3A_202 = arith.constant 0 : i32
      %dma_start3A_203 = tpu.memref_slice %arg2[%dma_start3A_201, %dma_start3A_202] : memref<20000x64xf32, #tpu.memory_space<hbm>> -> memref<20000x64xf32, #tpu.memory_space<hbm>>
      tpu.enqueue_indirect_dma source(%dma_start3A_203 : memref<20000x64xf32, #tpu.memory_space<hbm>>) target(%arg16 : memref<128x64xf32, #tpu.memory_space<vmem>>) offsets(%arg8 : memref<128xi32, #tpu.memory_space<vmem>>) semaphore(%arg34 : memref<!tpu.dma_semaphore, #tpu.memory_space<semaphore_mem>>)
      %dma_wait3A_204 = arith.constant 0 : i32
      %dma_wait3A_205 = tpu.memref_slice %arg4[%dma_wait3A_204] : memref<656384xi32, #tpu.memory_space<hbm>> -> memref<128xi32, #tpu.memory_space<hbm>>
      %dma_wait3A_206 = arith.constant 0 : i32
      %dma_wait3A_207 = tpu.memref_slice %arg4[%dma_wait3A_206] : memref<656384xi32, #tpu.memory_space<hbm>> -> memref<128xi32, #tpu.memory_space<hbm>>
      tpu.wait_dma2 semaphore(%arg27 : memref<!tpu.dma_semaphore, #tpu.memory_space<semaphore_mem>>) src(%dma_wait3A_207 : memref<128xi32, #tpu.memory_space<hbm>>) dst(%arg9 : memref<128xi32, #tpu.memory_space<vmem>>)
      %dma_start3A_208 = arith.constant 0 : i32
      %dma_start3A_209 = arith.constant 0 : i32
      %dma_start3A_210 = tpu.memref_slice %arg2[%dma_start3A_208, %dma_start3A_209] : memref<20000x64xf32, #tpu.memory_space<hbm>> -> memref<20000x64xf32, #tpu.memory_space<hbm>>
      tpu.enqueue_indirect_dma source(%dma_start3A_210 : memref<20000x64xf32, #tpu.memory_space<hbm>>) target(%arg17 : memref<128x64xf32, #tpu.memory_space<vmem>>) offsets(%arg9 : memref<128xi32, #tpu.memory_space<vmem>>) semaphore(%arg35 : memref<!tpu.dma_semaphore, #tpu.memory_space<semaphore_mem>>)
      %dma_wait3A_211 = arith.constant 0 : i32
      %dma_wait3A_212 = tpu.memref_slice %arg4[%dma_wait3A_211] : memref<656384xi32, #tpu.memory_space<hbm>> -> memref<128xi32, #tpu.memory_space<hbm>>
      %dma_wait3A_213 = arith.constant 0 : i32
      %dma_wait3A_214 = tpu.memref_slice %arg4[%dma_wait3A_213] : memref<656384xi32, #tpu.memory_space<hbm>> -> memref<128xi32, #tpu.memory_space<hbm>>
      tpu.wait_dma2 semaphore(%arg28 : memref<!tpu.dma_semaphore, #tpu.memory_space<semaphore_mem>>) src(%dma_wait3A_214 : memref<128xi32, #tpu.memory_space<hbm>>) dst(%arg10 : memref<128xi32, #tpu.memory_space<vmem>>)
      %dma_start3A_215 = arith.constant 0 : i32
      %dma_start3A_216 = arith.constant 0 : i32
      %dma_start3A_217 = tpu.memref_slice %arg2[%dma_start3A_215, %dma_start3A_216] : memref<20000x64xf32, #tpu.memory_space<hbm>> -> memref<20000x64xf32, #tpu.memory_space<hbm>>
      tpu.enqueue_indirect_dma source(%dma_start3A_217 : memref<20000x64xf32, #tpu.memory_space<hbm>>) target(%arg18 : memref<128x64xf32, #tpu.memory_space<vmem>>) offsets(%arg10 : memref<128xi32, #tpu.memory_space<vmem>>) semaphore(%arg36 : memref<!tpu.dma_semaphore, #tpu.memory_space<semaphore_mem>>)
      %dma_wait3A_218 = arith.constant 0 : i32
      %dma_wait3A_219 = tpu.memref_slice %arg4[%dma_wait3A_218] : memref<656384xi32, #tpu.memory_space<hbm>> -> memref<128xi32, #tpu.memory_space<hbm>>
      %dma_wait3A_220 = arith.constant 0 : i32
      %dma_wait3A_221 = tpu.memref_slice %arg4[%dma_wait3A_220] : memref<656384xi32, #tpu.memory_space<hbm>> -> memref<128xi32, #tpu.memory_space<hbm>>
      tpu.wait_dma2 semaphore(%arg29 : memref<!tpu.dma_semaphore, #tpu.memory_space<semaphore_mem>>) src(%dma_wait3A_221 : memref<128xi32, #tpu.memory_space<hbm>>) dst(%arg11 : memref<128xi32, #tpu.memory_space<vmem>>)
      %dma_start3A_222 = arith.constant 0 : i32
      %dma_start3A_223 = arith.constant 0 : i32
      %dma_start3A_224 = tpu.memref_slice %arg2[%dma_start3A_222, %dma_start3A_223] : memref<20000x64xf32, #tpu.memory_space<hbm>> -> memref<20000x64xf32, #tpu.memory_space<hbm>>
      tpu.enqueue_indirect_dma source(%dma_start3A_224 : memref<20000x64xf32, #tpu.memory_space<hbm>>) target(%arg19 : memref<128x64xf32, #tpu.memory_space<vmem>>) offsets(%arg11 : memref<128xi32, #tpu.memory_space<vmem>>) semaphore(%arg37 : memref<!tpu.dma_semaphore, #tpu.memory_space<semaphore_mem>>)
      %dma_wait3A_225 = arith.constant 0 : i32
      %dma_wait3A_226 = tpu.memref_slice %arg5[%dma_wait3A_225] : memref<328192xi32, #tpu.memory_space<hbm>> -> memref<128xi32, #tpu.memory_space<hbm>>
      %dma_wait3A_227 = arith.constant 0 : i32
      %dma_wait3A_228 = tpu.memref_slice %arg5[%dma_wait3A_227] : memref<328192xi32, #tpu.memory_space<hbm>> -> memref<128xi32, #tpu.memory_space<hbm>>
      tpu.wait_dma2 semaphore(%arg42 : memref<!tpu.dma_semaphore, #tpu.memory_space<semaphore_mem>>) src(%dma_wait3A_228 : memref<128xi32, #tpu.memory_space<hbm>>) dst(%arg20 : memref<128xi32, #tpu.memory_space<vmem>>)
      %dma_wait3A_229 = arith.constant 0 : i32
      %dma_wait3A_230 = arith.constant 0 : i32
      %dma_wait3A_231 = tpu.memref_slice %arg3[%dma_wait3A_229, %dma_wait3A_230] : memref<320000x16xf32, #tpu.memory_space<hbm>> -> memref<128x16xf32, #tpu.memory_space<hbm>>
      %dma_wait3A_232 = arith.constant 0 : i32
      %dma_wait3A_233 = arith.constant 0 : i32
      %dma_wait3A_234 = tpu.memref_slice %arg3[%dma_wait3A_232, %dma_wait3A_233] : memref<320000x16xf32, #tpu.memory_space<hbm>> -> memref<128x16xf32, #tpu.memory_space<hbm>>
      tpu.wait_dma2 semaphore(%arg44 : memref<!tpu.dma_semaphore, #tpu.memory_space<semaphore_mem>>) src(%dma_wait3A_234 : memref<128x16xf32, #tpu.memory_space<hbm>>) dst(%arg22 : memref<128x16xf32, #tpu.memory_space<vmem>>)
      %dma_start3A_235 = arith.constant 0 : i32
      %dma_start3A_236 = arith.constant 0 : i32
      %dma_start3A_237 = tpu.memref_slice %arg25[%dma_start3A_235, %dma_start3A_236] : memref<10240x16xf32, #tpu.memory_space<vmem_shared>> -> memref<10240x16xf32, #tpu.memory_space<vmem_shared>>
      tpu.enqueue_indirect_dma source(%arg22 : memref<128x16xf32, #tpu.memory_space<vmem>>) target(%dma_start3A_237 : memref<10240x16xf32, #tpu.memory_space<vmem_shared>>) offsets(%arg20 : memref<128xi32, #tpu.memory_space<vmem>>) semaphore(%arg46 : memref<!tpu.dma_semaphore, #tpu.memory_space<semaphore_mem>>) {add = true}
      %dma_wait3A_238 = arith.constant 0 : i32
      %dma_wait3A_239 = tpu.memref_slice %arg5[%dma_wait3A_238] : memref<328192xi32, #tpu.memory_space<hbm>> -> memref<128xi32, #tpu.memory_space<hbm>>
      %dma_wait3A_240 = arith.constant 0 : i32
      %dma_wait3A_241 = tpu.memref_slice %arg5[%dma_wait3A_240] : memref<328192xi32, #tpu.memory_space<hbm>> -> memref<128xi32, #tpu.memory_space<hbm>>
      tpu.wait_dma2 semaphore(%arg43 : memref<!tpu.dma_semaphore, #tpu.memory_space<semaphore_mem>>) src(%dma_wait3A_241 : memref<128xi32, #tpu.memory_space<hbm>>) dst(%arg21 : memref<128xi32, #tpu.memory_space<vmem>>)
      %dma_wait3A_242 = arith.constant 0 : i32
      %dma_wait3A_243 = arith.constant 0 : i32
      %dma_wait3A_244 = tpu.memref_slice %arg3[%dma_wait3A_242, %dma_wait3A_243] : memref<320000x16xf32, #tpu.memory_space<hbm>> -> memref<128x16xf32, #tpu.memory_space<hbm>>
      %dma_wait3A_245 = arith.constant 0 : i32
      %dma_wait3A_246 = arith.constant 0 : i32
      %dma_wait3A_247 = tpu.memref_slice %arg3[%dma_wait3A_245, %dma_wait3A_246] : memref<320000x16xf32, #tpu.memory_space<hbm>> -> memref<128x16xf32, #tpu.memory_space<hbm>>
      tpu.wait_dma2 semaphore(%arg45 : memref<!tpu.dma_semaphore, #tpu.memory_space<semaphore_mem>>) src(%dma_wait3A_247 : memref<128x16xf32, #tpu.memory_space<hbm>>) dst(%arg23 : memref<128x16xf32, #tpu.memory_space<vmem>>)
      %dma_start3A_248 = arith.constant 0 : i32
      %dma_start3A_249 = arith.constant 0 : i32
      %dma_start3A_250 = tpu.memref_slice %arg25[%dma_start3A_248, %dma_start3A_249] : memref<10240x16xf32, #tpu.memory_space<vmem_shared>> -> memref<10240x16xf32, #tpu.memory_space<vmem_shared>>
      tpu.enqueue_indirect_dma source(%arg23 : memref<128x16xf32, #tpu.memory_space<vmem>>) target(%dma_start3A_250 : memref<10240x16xf32, #tpu.memory_space<vmem_shared>>) offsets(%arg21 : memref<128xi32, #tpu.memory_space<vmem>>) semaphore(%arg47 : memref<!tpu.dma_semaphore, #tpu.memory_space<semaphore_mem>>) {add = true}
      %dma_wait3A_251 = arith.constant 0 : i32
      %dma_wait3A_252 = arith.constant 0 : i32
      %dma_wait3A_253 = tpu.memref_slice %arg2[%dma_wait3A_251, %dma_wait3A_252] : memref<20000x64xf32, #tpu.memory_space<hbm>> -> memref<20000x64xf32, #tpu.memory_space<hbm>>
      tpu.wait_indirect_dma semaphore(%arg34 : memref<!tpu.dma_semaphore, #tpu.memory_space<semaphore_mem>>) src(%dma_wait3A_253 : memref<20000x64xf32, #tpu.memory_space<hbm>>) dst(%arg16 : memref<128x64xf32, #tpu.memory_space<vmem>>)
      %dma_wait3A_254 = arith.constant 0 : i32
      %dma_wait3A_255 = tpu.memref_slice %arg5[%dma_wait3A_254] : memref<328192xi32, #tpu.memory_space<hbm>> -> memref<128xi32, #tpu.memory_space<hbm>>
      %dma_wait3A_256 = arith.constant 0 : i32
      %dma_wait3A_257 = tpu.memref_slice %arg5[%dma_wait3A_256] : memref<328192xi32, #tpu.memory_space<hbm>> -> memref<128xi32, #tpu.memory_space<hbm>>
      tpu.wait_dma2 semaphore(%arg30 : memref<!tpu.dma_semaphore, #tpu.memory_space<semaphore_mem>>) src(%dma_wait3A_257 : memref<128xi32, #tpu.memory_space<hbm>>) dst(%arg12 : memref<128xi32, #tpu.memory_space<vmem>>)
      %dma_start3A_258 = arith.constant 0 : i32
      %dma_start3A_259 = arith.constant 0 : i32
      %dma_start3A_260 = tpu.memref_slice %arg24[%dma_start3A_258, %dma_start3A_259] : memref<10240x64xf32, #tpu.memory_space<vmem_shared>> -> memref<10240x64xf32, #tpu.memory_space<vmem_shared>>
      tpu.enqueue_indirect_dma source(%arg16 : memref<128x64xf32, #tpu.memory_space<vmem>>) target(%dma_start3A_260 : memref<10240x64xf32, #tpu.memory_space<vmem_shared>>) offsets(%arg12 : memref<128xi32, #tpu.memory_space<vmem>>) semaphore(%arg38 : memref<!tpu.dma_semaphore, #tpu.memory_space<semaphore_mem>>) {add = true}
      %dma_wait3A_261 = arith.constant 0 : i32
      %dma_wait3A_262 = arith.constant 0 : i32
      %dma_wait3A_263 = tpu.memref_slice %arg2[%dma_wait3A_261, %dma_wait3A_262] : memref<20000x64xf32, #tpu.memory_space<hbm>> -> memref<20000x64xf32, #tpu.memory_space<hbm>>
      tpu.wait_indirect_dma semaphore(%arg35 : memref<!tpu.dma_semaphore, #tpu.memory_space<semaphore_mem>>) src(%dma_wait3A_263 : memref<20000x64xf32, #tpu.memory_space<hbm>>) dst(%arg17 : memref<128x64xf32, #tpu.memory_space<vmem>>)
      %dma_wait3A_264 = arith.constant 0 : i32
      %dma_wait3A_265 = tpu.memref_slice %arg5[%dma_wait3A_264] : memref<328192xi32, #tpu.memory_space<hbm>> -> memref<128xi32, #tpu.memory_space<hbm>>
      %dma_wait3A_266 = arith.constant 0 : i32
      %dma_wait3A_267 = tpu.memref_slice %arg5[%dma_wait3A_266] : memref<328192xi32, #tpu.memory_space<hbm>> -> memref<128xi32, #tpu.memory_space<hbm>>
      tpu.wait_dma2 semaphore(%arg31 : memref<!tpu.dma_semaphore, #tpu.memory_space<semaphore_mem>>) src(%dma_wait3A_267 : memref<128xi32, #tpu.memory_space<hbm>>) dst(%arg13 : memref<128xi32, #tpu.memory_space<vmem>>)
      %dma_start3A_268 = arith.constant 0 : i32
      %dma_start3A_269 = arith.constant 0 : i32
      %dma_start3A_270 = tpu.memref_slice %arg24[%dma_start3A_268, %dma_start3A_269] : memref<10240x64xf32, #tpu.memory_space<vmem_shared>> -> memref<10240x64xf32, #tpu.memory_space<vmem_shared>>
      tpu.enqueue_indirect_dma source(%arg17 : memref<128x64xf32, #tpu.memory_space<vmem>>) target(%dma_start3A_270 : memref<10240x64xf32, #tpu.memory_space<vmem_shared>>) offsets(%arg13 : memref<128xi32, #tpu.memory_space<vmem>>) semaphore(%arg39 : memref<!tpu.dma_semaphore, #tpu.memory_space<semaphore_mem>>) {add = true}
      %dma_wait3A_271 = arith.constant 0 : i32
      %dma_wait3A_272 = arith.constant 0 : i32
      %dma_wait3A_273 = tpu.memref_slice %arg2[%dma_wait3A_271, %dma_wait3A_272] : memref<20000x64xf32, #tpu.memory_space<hbm>> -> memref<20000x64xf32, #tpu.memory_space<hbm>>
      tpu.wait_indirect_dma semaphore(%arg36 : memref<!tpu.dma_semaphore, #tpu.memory_space<semaphore_mem>>) src(%dma_wait3A_273 : memref<20000x64xf32, #tpu.memory_space<hbm>>) dst(%arg18 : memref<128x64xf32, #tpu.memory_space<vmem>>)
      %dma_wait3A_274 = arith.constant 0 : i32
      %dma_wait3A_275 = tpu.memref_slice %arg5[%dma_wait3A_274] : memref<328192xi32, #tpu.memory_space<hbm>> -> memref<128xi32, #tpu.memory_space<hbm>>
      %dma_wait3A_276 = arith.constant 0 : i32
      %dma_wait3A_277 = tpu.memref_slice %arg5[%dma_wait3A_276] : memref<328192xi32, #tpu.memory_space<hbm>> -> memref<128xi32, #tpu.memory_space<hbm>>
      tpu.wait_dma2 semaphore(%arg32 : memref<!tpu.dma_semaphore, #tpu.memory_space<semaphore_mem>>) src(%dma_wait3A_277 : memref<128xi32, #tpu.memory_space<hbm>>) dst(%arg14 : memref<128xi32, #tpu.memory_space<vmem>>)
      %dma_start3A_278 = arith.constant 0 : i32
      %dma_start3A_279 = arith.constant 0 : i32
      %dma_start3A_280 = tpu.memref_slice %arg24[%dma_start3A_278, %dma_start3A_279] : memref<10240x64xf32, #tpu.memory_space<vmem_shared>> -> memref<10240x64xf32, #tpu.memory_space<vmem_shared>>
      tpu.enqueue_indirect_dma source(%arg18 : memref<128x64xf32, #tpu.memory_space<vmem>>) target(%dma_start3A_280 : memref<10240x64xf32, #tpu.memory_space<vmem_shared>>) offsets(%arg14 : memref<128xi32, #tpu.memory_space<vmem>>) semaphore(%arg40 : memref<!tpu.dma_semaphore, #tpu.memory_space<semaphore_mem>>) {add = true}
      %dma_wait3A_281 = arith.constant 0 : i32
      %dma_wait3A_282 = arith.constant 0 : i32
      %dma_wait3A_283 = tpu.memref_slice %arg2[%dma_wait3A_281, %dma_wait3A_282] : memref<20000x64xf32, #tpu.memory_space<hbm>> -> memref<20000x64xf32, #tpu.memory_space<hbm>>
      tpu.wait_indirect_dma semaphore(%arg37 : memref<!tpu.dma_semaphore, #tpu.memory_space<semaphore_mem>>) src(%dma_wait3A_283 : memref<20000x64xf32, #tpu.memory_space<hbm>>) dst(%arg19 : memref<128x64xf32, #tpu.memory_space<vmem>>)
      %dma_wait3A_284 = arith.constant 0 : i32
      %dma_wait3A_285 = tpu.memref_slice %arg5[%dma_wait3A_284] : memref<328192xi32, #tpu.memory_space<hbm>> -> memref<128xi32, #tpu.memory_space<hbm>>
      %dma_wait3A_286 = arith.constant 0 : i32
      %dma_wait3A_287 = tpu.memref_slice %arg5[%dma_wait3A_286] : memref<328192xi32, #tpu.memory_space<hbm>> -> memref<128xi32, #tpu.memory_space<hbm>>
      tpu.wait_dma2 semaphore(%arg33 : memref<!tpu.dma_semaphore, #tpu.memory_space<semaphore_mem>>) src(%dma_wait3A_287 : memref<128xi32, #tpu.memory_space<hbm>>) dst(%arg15 : memref<128xi32, #tpu.memory_space<vmem>>)
      %dma_start3A_288 = arith.constant 0 : i32
      %dma_start3A_289 = arith.constant 0 : i32
      %dma_start3A_290 = tpu.memref_slice %arg24[%dma_start3A_288, %dma_start3A_289] : memref<10240x64xf32, #tpu.memory_space<vmem_shared>> -> memref<10240x64xf32, #tpu.memory_space<vmem_shared>>
      tpu.enqueue_indirect_dma source(%arg19 : memref<128x64xf32, #tpu.memory_space<vmem>>) target(%dma_start3A_290 : memref<10240x64xf32, #tpu.memory_space<vmem_shared>>) offsets(%arg15 : memref<128xi32, #tpu.memory_space<vmem>>) semaphore(%arg41 : memref<!tpu.dma_semaphore, #tpu.memory_space<semaphore_mem>>) {add = true}
      %dma_wait3A_291 = arith.constant 0 : i32
      %dma_wait3A_292 = arith.constant 0 : i32
      %dma_wait3A_293 = tpu.memref_slice %arg24[%dma_wait3A_291, %dma_wait3A_292] : memref<10240x64xf32, #tpu.memory_space<vmem_shared>> -> memref<10240x64xf32, #tpu.memory_space<vmem_shared>>
      tpu.wait_indirect_dma semaphore(%arg38 : memref<!tpu.dma_semaphore, #tpu.memory_space<semaphore_mem>>) src(%arg16 : memref<128x64xf32, #tpu.memory_space<vmem>>) dst(%dma_wait3A_293 : memref<10240x64xf32, #tpu.memory_space<vmem_shared>>)
      %add3A_294 = arith.constant 1 : i32
      %add3A_295 = arith.addi %scan3A_196, %add3A_294 : i32
      %mul3A_296 = arith.constant 4 : i32
      %mul3A_297 = arith.muli %add3A_295, %mul3A_296 : i32
      %add3A_298 = arith.constant 0 : i32
      %add3A_299 = arith.addi %mul3A_297, %add3A_298 : i32
      %mul3A_300 = arith.constant 128 : i32
      %mul3A_301 = arith.muli %add3A_299, %mul3A_300 : i32
      %add3A_302 = arith.addi %add3A_28, %mul3A_301 : i32
      %dma_start3A_303 = tpu.memref_slice %arg4[%add3A_302] : memref<656384xi32, #tpu.memory_space<hbm>> -> memref<128xi32, #tpu.memory_space<hbm>>
      %dma_start3A_304 = tpu.memref_slice %arg4[%add3A_302] : memref<656384xi32, #tpu.memory_space<hbm>> -> memref<128xi32, #tpu.memory_space<hbm>>
      tpu.enqueue_dma source(%dma_start3A_304 : memref<128xi32, #tpu.memory_space<hbm>>) target(%arg8 : memref<128xi32, #tpu.memory_space<vmem>>) target_semaphore(%arg26 : memref<!tpu.dma_semaphore, #tpu.memory_space<semaphore_mem>>)
      %add3A_305 = arith.addi %mul3A_25, %mul3A_301 : i32
      %dma_start3A_306 = tpu.memref_slice %arg5[%add3A_305] : memref<328192xi32, #tpu.memory_space<hbm>> -> memref<128xi32, #tpu.memory_space<hbm>>
      %dma_start3A_307 = tpu.memref_slice %arg5[%add3A_305] : memref<328192xi32, #tpu.memory_space<hbm>> -> memref<128xi32, #tpu.memory_space<hbm>>
      tpu.enqueue_dma source(%dma_start3A_307 : memref<128xi32, #tpu.memory_space<hbm>>) target(%arg12 : memref<128xi32, #tpu.memory_space<vmem>>) target_semaphore(%arg30 : memref<!tpu.dma_semaphore, #tpu.memory_space<semaphore_mem>>)
      %dma_wait3A_308 = arith.constant 0 : i32
      %dma_wait3A_309 = arith.constant 0 : i32
      %dma_wait3A_310 = tpu.memref_slice %arg24[%dma_wait3A_308, %dma_wait3A_309] : memref<10240x64xf32, #tpu.memory_space<vmem_shared>> -> memref<10240x64xf32, #tpu.memory_space<vmem_shared>>
      tpu.wait_indirect_dma semaphore(%arg39 : memref<!tpu.dma_semaphore, #tpu.memory_space<semaphore_mem>>) src(%arg17 : memref<128x64xf32, #tpu.memory_space<vmem>>) dst(%dma_wait3A_310 : memref<10240x64xf32, #tpu.memory_space<vmem_shared>>)
      %add3A_311 = arith.constant 1 : i32
      %add3A_312 = arith.addi %scan3A_196, %add3A_311 : i32
      %mul3A_313 = arith.constant 4 : i32
      %mul3A_314 = arith.muli %add3A_312, %mul3A_313 : i32
      %add3A_315 = arith.constant 1 : i32
      %add3A_316 = arith.addi %mul3A_314, %add3A_315 : i32
      %mul3A_317 = arith.constant 128 : i32
      %mul3A_318 = arith.muli %add3A_316, %mul3A_317 : i32
      %add3A_319 = arith.addi %add3A_28, %mul3A_318 : i32
      %dma_start3A_320 = tpu.memref_slice %arg4[%add3A_319] : memref<656384xi32, #tpu.memory_space<hbm>> -> memref<128xi32, #tpu.memory_space<hbm>>
      %dma_start3A_321 = tpu.memref_slice %arg4[%add3A_319] : memref<656384xi32, #tpu.memory_space<hbm>> -> memref<128xi32, #tpu.memory_space<hbm>>
      tpu.enqueue_dma source(%dma_start3A_321 : memref<128xi32, #tpu.memory_space<hbm>>) target(%arg9 : memref<128xi32, #tpu.memory_space<vmem>>) target_semaphore(%arg27 : memref<!tpu.dma_semaphore, #tpu.memory_space<semaphore_mem>>)
      %add3A_322 = arith.addi %mul3A_25, %mul3A_318 : i32
      %dma_start3A_323 = tpu.memref_slice %arg5[%add3A_322] : memref<328192xi32, #tpu.memory_space<hbm>> -> memref<128xi32, #tpu.memory_space<hbm>>
      %dma_start3A_324 = tpu.memref_slice %arg5[%add3A_322] : memref<328192xi32, #tpu.memory_space<hbm>> -> memref<128xi32, #tpu.memory_space<hbm>>
      tpu.enqueue_dma source(%dma_start3A_324 : memref<128xi32, #tpu.memory_space<hbm>>) target(%arg13 : memref<128xi32, #tpu.memory_space<vmem>>) target_semaphore(%arg31 : memref<!tpu.dma_semaphore, #tpu.memory_space<semaphore_mem>>)
      %dma_wait3A_325 = arith.constant 0 : i32
      %dma_wait3A_326 = arith.constant 0 : i32
      %dma_wait3A_327 = tpu.memref_slice %arg24[%dma_wait3A_325, %dma_wait3A_326] : memref<10240x64xf32, #tpu.memory_space<vmem_shared>> -> memref<10240x64xf32, #tpu.memory_space<vmem_shared>>
      tpu.wait_indirect_dma semaphore(%arg40 : memref<!tpu.dma_semaphore, #tpu.memory_space<semaphore_mem>>) src(%arg18 : memref<128x64xf32, #tpu.memory_space<vmem>>) dst(%dma_wait3A_327 : memref<10240x64xf32, #tpu.memory_space<vmem_shared>>)
      %add3A_328 = arith.constant 1 : i32
      %add3A_329 = arith.addi %scan3A_196, %add3A_328 : i32
      %mul3A_330 = arith.constant 4 : i32
      %mul3A_331 = arith.muli %add3A_329, %mul3A_330 : i32
      %add3A_332 = arith.constant 2 : i32
      %add3A_333 = arith.addi %mul3A_331, %add3A_332 : i32
      %mul3A_334 = arith.constant 128 : i32
      %mul3A_335 = arith.muli %add3A_333, %mul3A_334 : i32
      %add3A_336 = arith.addi %add3A_28, %mul3A_335 : i32
      %dma_start3A_337 = tpu.memref_slice %arg4[%add3A_336] : memref<656384xi32, #tpu.memory_space<hbm>> -> memref<128xi32, #tpu.memory_space<hbm>>
      %dma_start3A_338 = tpu.memref_slice %arg4[%add3A_336] : memref<656384xi32, #tpu.memory_space<hbm>> -> memref<128xi32, #tpu.memory_space<hbm>>
      tpu.enqueue_dma source(%dma_start3A_338 : memref<128xi32, #tpu.memory_space<hbm>>) target(%arg10 : memref<128xi32, #tpu.memory_space<vmem>>) target_semaphore(%arg28 : memref<!tpu.dma_semaphore, #tpu.memory_space<semaphore_mem>>)
      %add3A_339 = arith.addi %mul3A_25, %mul3A_335 : i32
      %dma_start3A_340 = tpu.memref_slice %arg5[%add3A_339] : memref<328192xi32, #tpu.memory_space<hbm>> -> memref<128xi32, #tpu.memory_space<hbm>>
      %dma_start3A_341 = tpu.memref_slice %arg5[%add3A_339] : memref<328192xi32, #tpu.memory_space<hbm>> -> memref<128xi32, #tpu.memory_space<hbm>>
      tpu.enqueue_dma source(%dma_start3A_341 : memref<128xi32, #tpu.memory_space<hbm>>) target(%arg14 : memref<128xi32, #tpu.memory_space<vmem>>) target_semaphore(%arg32 : memref<!tpu.dma_semaphore, #tpu.memory_space<semaphore_mem>>)
      %dma_wait3A_342 = arith.constant 0 : i32
      %dma_wait3A_343 = arith.constant 0 : i32
      %dma_wait3A_344 = tpu.memref_slice %arg24[%dma_wait3A_342, %dma_wait3A_343] : memref<10240x64xf32, #tpu.memory_space<vmem_shared>> -> memref<10240x64xf32, #tpu.memory_space<vmem_shared>>
      tpu.wait_indirect_dma semaphore(%arg41 : memref<!tpu.dma_semaphore, #tpu.memory_space<semaphore_mem>>) src(%arg19 : memref<128x64xf32, #tpu.memory_space<vmem>>) dst(%dma_wait3A_344 : memref<10240x64xf32, #tpu.memory_space<vmem_shared>>)
      %add3A_345 = arith.constant 1 : i32
      %add3A_346 = arith.addi %scan3A_196, %add3A_345 : i32
      %mul3A_347 = arith.constant 4 : i32
      %mul3A_348 = arith.muli %add3A_346, %mul3A_347 : i32
      %add3A_349 = arith.constant 3 : i32
      %add3A_350 = arith.addi %mul3A_348, %add3A_349 : i32
      %mul3A_351 = arith.constant 128 : i32
      %mul3A_352 = arith.muli %add3A_350, %mul3A_351 : i32
      %add3A_353 = arith.addi %add3A_28, %mul3A_352 : i32
      %dma_start3A_354 = tpu.memref_slice %arg4[%add3A_353] : memref<656384xi32, #tpu.memory_space<hbm>> -> memref<128xi32, #tpu.memory_space<hbm>>
      %dma_start3A_355 = tpu.memref_slice %arg4[%add3A_353] : memref<656384xi32, #tpu.memory_space<hbm>> -> memref<128xi32, #tpu.memory_space<hbm>>
      tpu.enqueue_dma source(%dma_start3A_355 : memref<128xi32, #tpu.memory_space<hbm>>) target(%arg11 : memref<128xi32, #tpu.memory_space<vmem>>) target_semaphore(%arg29 : memref<!tpu.dma_semaphore, #tpu.memory_space<semaphore_mem>>)
      %add3A_356 = arith.addi %mul3A_25, %mul3A_352 : i32
      %dma_start3A_357 = tpu.memref_slice %arg5[%add3A_356] : memref<328192xi32, #tpu.memory_space<hbm>> -> memref<128xi32, #tpu.memory_space<hbm>>
      %dma_start3A_358 = tpu.memref_slice %arg5[%add3A_356] : memref<328192xi32, #tpu.memory_space<hbm>> -> memref<128xi32, #tpu.memory_space<hbm>>
      tpu.enqueue_dma source(%dma_start3A_358 : memref<128xi32, #tpu.memory_space<hbm>>) target(%arg15 : memref<128xi32, #tpu.memory_space<vmem>>) target_semaphore(%arg33 : memref<!tpu.dma_semaphore, #tpu.memory_space<semaphore_mem>>)
      %dma_wait3A_359 = arith.constant 0 : i32
      %dma_wait3A_360 = arith.constant 0 : i32
      %dma_wait3A_361 = tpu.memref_slice %arg25[%dma_wait3A_359, %dma_wait3A_360] : memref<10240x16xf32, #tpu.memory_space<vmem_shared>> -> memref<10240x16xf32, #tpu.memory_space<vmem_shared>>
      tpu.wait_indirect_dma semaphore(%arg46 : memref<!tpu.dma_semaphore, #tpu.memory_space<semaphore_mem>>) src(%arg22 : memref<128x16xf32, #tpu.memory_space<vmem>>) dst(%dma_wait3A_361 : memref<10240x16xf32, #tpu.memory_space<vmem_shared>>)
      %add3A_362 = arith.constant 1 : i32
      %add3A_363 = arith.addi %scan3A_196, %add3A_362 : i32
      %mul3A_364 = arith.constant 2 : i32
      %mul3A_365 = arith.muli %add3A_363, %mul3A_364 : i32
      %add3A_366 = arith.constant 0 : i32
      %add3A_367 = arith.addi %mul3A_365, %add3A_366 : i32
      %mul3A_368 = arith.constant 128 : i32
      %mul3A_369 = arith.muli %add3A_367, %mul3A_368 : i32
      %add3A_370 = arith.addi %mul3A_33, %mul3A_369 : i32
      %min3A_371 = arith.constant 319872 : i32
      %min3A_372 = arith.minsi %add3A_370, %min3A_371 : i32
      %add3A_373 = arith.addi %mul3A_33, %mul3A_369 : i32
      %dma_start3A_374 = tpu.memref_slice %arg5[%add3A_373] : memref<328192xi32, #tpu.memory_space<hbm>> -> memref<128xi32, #tpu.memory_space<hbm>>
      %dma_start3A_375 = tpu.memref_slice %arg5[%add3A_373] : memref<328192xi32, #tpu.memory_space<hbm>> -> memref<128xi32, #tpu.memory_space<hbm>>
      tpu.enqueue_dma source(%dma_start3A_375 : memref<128xi32, #tpu.memory_space<hbm>>) target(%arg20 : memref<128xi32, #tpu.memory_space<vmem>>) target_semaphore(%arg42 : memref<!tpu.dma_semaphore, #tpu.memory_space<semaphore_mem>>)
      %dma_start3A_376 = arith.constant 0 : i32
      %dma_start3A_377 = tpu.memref_slice %arg3[%min3A_372, %dma_start3A_376] : memref<320000x16xf32, #tpu.memory_space<hbm>> -> memref<128x16xf32, #tpu.memory_space<hbm>>
      %dma_start3A_378 = arith.constant 0 : i32
      %dma_start3A_379 = tpu.memref_slice %arg3[%min3A_372, %dma_start3A_378] : memref<320000x16xf32, #tpu.memory_space<hbm>> -> memref<128x16xf32, #tpu.memory_space<hbm>>
      tpu.enqueue_dma source(%dma_start3A_379 : memref<128x16xf32, #tpu.memory_space<hbm>>) target(%arg22 : memref<128x16xf32, #tpu.memory_space<vmem>>) target_semaphore(%arg44 : memref<!tpu.dma_semaphore, #tpu.memory_space<semaphore_mem>>)
      %dma_wait3A_380 = arith.constant 0 : i32
      %dma_wait3A_381 = arith.constant 0 : i32
      %dma_wait3A_382 = tpu.memref_slice %arg25[%dma_wait3A_380, %dma_wait3A_381] : memref<10240x16xf32, #tpu.memory_space<vmem_shared>> -> memref<10240x16xf32, #tpu.memory_space<vmem_shared>>
      tpu.wait_indirect_dma semaphore(%arg47 : memref<!tpu.dma_semaphore, #tpu.memory_space<semaphore_mem>>) src(%arg23 : memref<128x16xf32, #tpu.memory_space<vmem>>) dst(%dma_wait3A_382 : memref<10240x16xf32, #tpu.memory_space<vmem_shared>>)
      %add3A_383 = arith.constant 1 : i32
      %add3A_384 = arith.addi %scan3A_196, %add3A_383 : i32
      %mul3A_385 = arith.constant 2 : i32
      %mul3A_386 = arith.muli %add3A_384, %mul3A_385 : i32
      %add3A_387 = arith.constant 1 : i32
      %add3A_388 = arith.addi %mul3A_386, %add3A_387 : i32
      %mul3A_389 = arith.constant 128 : i32
      %mul3A_390 = arith.muli %add3A_388, %mul3A_389 : i32
      %add3A_391 = arith.addi %mul3A_33, %mul3A_390 : i32
      %min3A_392 = arith.constant 319872 : i32
      %min3A_393 = arith.minsi %add3A_391, %min3A_392 : i32
      %add3A_394 = arith.addi %mul3A_33, %mul3A_390 : i32
      %dma_start3A_395 = tpu.memref_slice %arg5[%add3A_394] : memref<328192xi32, #tpu.memory_space<hbm>> -> memref<128xi32, #tpu.memory_space<hbm>>
      %dma_start3A_396 = tpu.memref_slice %arg5[%add3A_394] : memref<328192xi32, #tpu.memory_space<hbm>> -> memref<128xi32, #tpu.memory_space<hbm>>
      tpu.enqueue_dma source(%dma_start3A_396 : memref<128xi32, #tpu.memory_space<hbm>>) target(%arg21 : memref<128xi32, #tpu.memory_space<vmem>>) target_semaphore(%arg43 : memref<!tpu.dma_semaphore, #tpu.memory_space<semaphore_mem>>)
      %dma_start3A_397 = arith.constant 0 : i32
      %dma_start3A_398 = tpu.memref_slice %arg3[%min3A_393, %dma_start3A_397] : memref<320000x16xf32, #tpu.memory_space<hbm>> -> memref<128x16xf32, #tpu.memory_space<hbm>>
      %dma_start3A_399 = arith.constant 0 : i32
      %dma_start3A_400 = tpu.memref_slice %arg3[%min3A_393, %dma_start3A_399] : memref<320000x16xf32, #tpu.memory_space<hbm>> -> memref<128x16xf32, #tpu.memory_space<hbm>>
      tpu.enqueue_dma source(%dma_start3A_400 : memref<128x16xf32, #tpu.memory_space<hbm>>) target(%arg23 : memref<128x16xf32, #tpu.memory_space<vmem>>) target_semaphore(%arg45 : memref<!tpu.dma_semaphore, #tpu.memory_space<semaphore_mem>>)
    }
    %scan3A_93 = arith.constant 40 : i32
    %dma_wait3A = arith.constant 0 : i32
    %dma_wait3A_94 = tpu.memref_slice %arg4[%dma_wait3A] : memref<656384xi32, #tpu.memory_space<hbm>> -> memref<128xi32, #tpu.memory_space<hbm>>
    %dma_wait3A_95 = arith.constant 0 : i32
    %dma_wait3A_96 = tpu.memref_slice %arg4[%dma_wait3A_95] : memref<656384xi32, #tpu.memory_space<hbm>> -> memref<128xi32, #tpu.memory_space<hbm>>
    tpu.wait_dma2 semaphore(%arg26 : memref<!tpu.dma_semaphore, #tpu.memory_space<semaphore_mem>>) src(%dma_wait3A_96 : memref<128xi32, #tpu.memory_space<hbm>>) dst(%arg8 : memref<128xi32, #tpu.memory_space<vmem>>)
    %dma_wait3A_97 = arith.constant 0 : i32
    %dma_wait3A_98 = tpu.memref_slice %arg5[%dma_wait3A_97] : memref<328192xi32, #tpu.memory_space<hbm>> -> memref<128xi32, #tpu.memory_space<hbm>>
    %dma_wait3A_99 = arith.constant 0 : i32
    %dma_wait3A_100 = tpu.memref_slice %arg5[%dma_wait3A_99] : memref<328192xi32, #tpu.memory_space<hbm>> -> memref<128xi32, #tpu.memory_space<hbm>>
    tpu.wait_dma2 semaphore(%arg30 : memref<!tpu.dma_semaphore, #tpu.memory_space<semaphore_mem>>) src(%dma_wait3A_100 : memref<128xi32, #tpu.memory_space<hbm>>) dst(%arg12 : memref<128xi32, #tpu.memory_space<vmem>>)
    %dma_wait3A_101 = arith.constant 0 : i32
    %dma_wait3A_102 = tpu.memref_slice %arg4[%dma_wait3A_101] : memref<656384xi32, #tpu.memory_space<hbm>> -> memref<128xi32, #tpu.memory_space<hbm>>
    %dma_wait3A_103 = arith.constant 0 : i32
    %dma_wait3A_104 = tpu.memref_slice %arg4[%dma_wait3A_103] : memref<656384xi32, #tpu.memory_space<hbm>> -> memref<128xi32, #tpu.memory_space<hbm>>
    tpu.wait_dma2 semaphore(%arg27 : memref<!tpu.dma_semaphore, #tpu.memory_space<semaphore_mem>>) src(%dma_wait3A_104 : memref<128xi32, #tpu.memory_space<hbm>>) dst(%arg9 : memref<128xi32, #tpu.memory_space<vmem>>)
    %dma_wait3A_105 = arith.constant 0 : i32
    %dma_wait3A_106 = tpu.memref_slice %arg5[%dma_wait3A_105] : memref<328192xi32, #tpu.memory_space<hbm>> -> memref<128xi32, #tpu.memory_space<hbm>>
    %dma_wait3A_107 = arith.constant 0 : i32
    %dma_wait3A_108 = tpu.memref_slice %arg5[%dma_wait3A_107] : memref<328192xi32, #tpu.memory_space<hbm>> -> memref<128xi32, #tpu.memory_space<hbm>>
    tpu.wait_dma2 semaphore(%arg31 : memref<!tpu.dma_semaphore, #tpu.memory_space<semaphore_mem>>) src(%dma_wait3A_108 : memref<128xi32, #tpu.memory_space<hbm>>) dst(%arg13 : memref<128xi32, #tpu.memory_space<vmem>>)
    %dma_wait3A_109 = arith.constant 0 : i32
    %dma_wait3A_110 = tpu.memref_slice %arg4[%dma_wait3A_109] : memref<656384xi32, #tpu.memory_space<hbm>> -> memref<128xi32, #tpu.memory_space<hbm>>
    %dma_wait3A_111 = arith.constant 0 : i32
    %dma_wait3A_112 = tpu.memref_slice %arg4[%dma_wait3A_111] : memref<656384xi32, #tpu.memory_space<hbm>> -> memref<128xi32, #tpu.memory_space<hbm>>
    tpu.wait_dma2 semaphore(%arg28 : memref<!tpu.dma_semaphore, #tpu.memory_space<semaphore_mem>>) src(%dma_wait3A_112 : memref<128xi32, #tpu.memory_space<hbm>>) dst(%arg10 : memref<128xi32, #tpu.memory_space<vmem>>)
    %dma_wait3A_113 = arith.constant 0 : i32
    %dma_wait3A_114 = tpu.memref_slice %arg5[%dma_wait3A_113] : memref<328192xi32, #tpu.memory_space<hbm>> -> memref<128xi32, #tpu.memory_space<hbm>>
    %dma_wait3A_115 = arith.constant 0 : i32
    %dma_wait3A_116 = tpu.memref_slice %arg5[%dma_wait3A_115] : memref<328192xi32, #tpu.memory_space<hbm>> -> memref<128xi32, #tpu.memory_space<hbm>>
    tpu.wait_dma2 semaphore(%arg32 : memref<!tpu.dma_semaphore, #tpu.memory_space<semaphore_mem>>) src(%dma_wait3A_116 : memref<128xi32, #tpu.memory_space<hbm>>) dst(%arg14 : memref<128xi32, #tpu.memory_space<vmem>>)
    %dma_wait3A_117 = arith.constant 0 : i32
    %dma_wait3A_118 = tpu.memref_slice %arg4[%dma_wait3A_117] : memref<656384xi32, #tpu.memory_space<hbm>> -> memref<128xi32, #tpu.memory_space<hbm>>
    %dma_wait3A_119 = arith.constant 0 : i32
    %dma_wait3A_120 = tpu.memref_slice %arg4[%dma_wait3A_119] : memref<656384xi32, #tpu.memory_space<hbm>> -> memref<128xi32, #tpu.memory_space<hbm>>
    tpu.wait_dma2 semaphore(%arg29 : memref<!tpu.dma_semaphore, #tpu.memory_space<semaphore_mem>>) src(%dma_wait3A_120 : memref<128xi32, #tpu.memory_space<hbm>>) dst(%arg11 : memref<128xi32, #tpu.memory_space<vmem>>)
    %dma_wait3A_121 = arith.constant 0 : i32
    %dma_wait3A_122 = tpu.memref_slice %arg5[%dma_wait3A_121] : memref<328192xi32, #tpu.memory_space<hbm>> -> memref<128xi32, #tpu.memory_space<hbm>>
    %dma_wait3A_123 = arith.constant 0 : i32
    %dma_wait3A_124 = tpu.memref_slice %arg5[%dma_wait3A_123] : memref<328192xi32, #tpu.memory_space<hbm>> -> memref<128xi32, #tpu.memory_space<hbm>>
    tpu.wait_dma2 semaphore(%arg33 : memref<!tpu.dma_semaphore, #tpu.memory_space<semaphore_mem>>) src(%dma_wait3A_124 : memref<128xi32, #tpu.memory_space<hbm>>) dst(%arg15 : memref<128xi32, #tpu.memory_space<vmem>>)
    %dma_wait3A_125 = arith.constant 0 : i32
    %dma_wait3A_126 = tpu.memref_slice %arg5[%dma_wait3A_125] : memref<328192xi32, #tpu.memory_space<hbm>> -> memref<128xi32, #tpu.memory_space<hbm>>
    %dma_wait3A_127 = arith.constant 0 : i32
    %dma_wait3A_128 = tpu.memref_slice %arg5[%dma_wait3A_127] : memref<328192xi32, #tpu.memory_space<hbm>> -> memref<128xi32, #tpu.memory_space<hbm>>
    tpu.wait_dma2 semaphore(%arg42 : memref<!tpu.dma_semaphore, #tpu.memory_space<semaphore_mem>>) src(%dma_wait3A_128 : memref<128xi32, #tpu.memory_space<hbm>>) dst(%arg20 : memref<128xi32, #tpu.memory_space<vmem>>)
    %dma_wait3A_129 = arith.constant 0 : i32
    %dma_wait3A_130 = arith.constant 0 : i32
    %dma_wait3A_131 = tpu.memref_slice %arg3[%dma_wait3A_129, %dma_wait3A_130] : memref<320000x16xf32, #tpu.memory_space<hbm>> -> memref<128x16xf32, #tpu.memory_space<hbm>>
    %dma_wait3A_132 = arith.constant 0 : i32
    %dma_wait3A_133 = arith.constant 0 : i32
    %dma_wait3A_134 = tpu.memref_slice %arg3[%dma_wait3A_132, %dma_wait3A_133] : memref<320000x16xf32, #tpu.memory_space<hbm>> -> memref<128x16xf32, #tpu.memory_space<hbm>>
    tpu.wait_dma2 semaphore(%arg44 : memref<!tpu.dma_semaphore, #tpu.memory_space<semaphore_mem>>) src(%dma_wait3A_134 : memref<128x16xf32, #tpu.memory_space<hbm>>) dst(%arg22 : memref<128x16xf32, #tpu.memory_space<vmem>>)
    %dma_wait3A_135 = arith.constant 0 : i32
    %dma_wait3A_136 = tpu.memref_slice %arg5[%dma_wait3A_135] : memref<328192xi32, #tpu.memory_space<hbm>> -> memref<128xi32, #tpu.memory_space<hbm>>
    %dma_wait3A_137 = arith.constant 0 : i32
    %dma_wait3A_138 = tpu.memref_slice %arg5[%dma_wait3A_137] : memref<328192xi32, #tpu.memory_space<hbm>> -> memref<128xi32, #tpu.memory_space<hbm>>
    tpu.wait_dma2 semaphore(%arg43 : memref<!tpu.dma_semaphore, #tpu.memory_space<semaphore_mem>>) src(%dma_wait3A_138 : memref<128xi32, #tpu.memory_space<hbm>>) dst(%arg21 : memref<128xi32, #tpu.memory_space<vmem>>)
    %dma_wait3A_139 = arith.constant 0 : i32
    %dma_wait3A_140 = arith.constant 0 : i32
    %dma_wait3A_141 = tpu.memref_slice %arg3[%dma_wait3A_139, %dma_wait3A_140] : memref<320000x16xf32, #tpu.memory_space<hbm>> -> memref<128x16xf32, #tpu.memory_space<hbm>>
    %dma_wait3A_142 = arith.constant 0 : i32
    %dma_wait3A_143 = arith.constant 0 : i32
    %dma_wait3A_144 = tpu.memref_slice %arg3[%dma_wait3A_142, %dma_wait3A_143] : memref<320000x16xf32, #tpu.memory_space<hbm>> -> memref<128x16xf32, #tpu.memory_space<hbm>>
    tpu.wait_dma2 semaphore(%arg45 : memref<!tpu.dma_semaphore, #tpu.memory_space<semaphore_mem>>) src(%dma_wait3A_144 : memref<128x16xf32, #tpu.memory_space<hbm>>) dst(%arg23 : memref<128x16xf32, #tpu.memory_space<vmem>>)
    %barrier3A_145 = arith.constant 0 : index
    tpu.barrier barrier_id(%barrier3A_145)
    %mul3A_146 = arith.constant 640 : i32
    %mul3A_147 = arith.muli %arg1, %mul3A_146 : i32
    %add3A_148 = arith.constant 0 : i32
    %add3A_149 = arith.addi %mul3A_147, %add3A_148 : i32
    "tpu.region"() ({
      %run_scoped3A = tpu.sem_alloc : memref<!tpu.dma_semaphore, #tpu.memory_space<semaphore_mem>>
      %dma_start3A_196 = arith.constant 0 : i32
      %dma_start3A_197 = tpu.memref_slice %arg24[%add3A_149, %dma_start3A_196] : memref<10240x64xf32, #tpu.memory_space<vmem_shared>> -> memref<128x64xf32, #tpu.memory_space<vmem_shared>>
      %dma_start3A_198 = arith.constant 0 : i32
      %dma_start3A_199 = tpu.memref_slice %arg24[%add3A_149, %dma_start3A_198] : memref<10240x64xf32, #tpu.memory_space<vmem_shared>> -> memref<128x64xf32, #tpu.memory_space<vmem_shared>>
      tpu.enqueue_dma source(%dma_start3A_199 : memref<128x64xf32, #tpu.memory_space<vmem_shared>>) target(%arg16 : memref<128x64xf32, #tpu.memory_space<vmem>>) target_semaphore(%run_scoped3A : memref<!tpu.dma_semaphore, #tpu.memory_space<semaphore_mem>>)
      %dma_wait3A_200 = arith.constant 0 : i32
      %dma_wait3A_201 = tpu.memref_slice %arg24[%add3A_149, %dma_wait3A_200] : memref<10240x64xf32, #tpu.memory_space<vmem_shared>> -> memref<128x64xf32, #tpu.memory_space<vmem_shared>>
      %dma_wait3A_202 = arith.constant 0 : i32
      %dma_wait3A_203 = tpu.memref_slice %arg24[%add3A_149, %dma_wait3A_202] : memref<10240x64xf32, #tpu.memory_space<vmem_shared>> -> memref<128x64xf32, #tpu.memory_space<vmem_shared>>
      tpu.wait_dma2 semaphore(%run_scoped3A : memref<!tpu.dma_semaphore, #tpu.memory_space<semaphore_mem>>) src(%dma_wait3A_203 : memref<128x64xf32, #tpu.memory_space<vmem_shared>>) dst(%arg16 : memref<128x64xf32, #tpu.memory_space<vmem>>)
      tpu.yield
    }) : () -> ()
    %mul3A_150 = arith.constant 10240 : i32
    %mul3A_151 = arith.muli %arg0, %mul3A_150 : i32
    %add3A_152 = arith.addi %mul3A_151, %add3A_149 : i32
    "tpu.region"() ({
      %run_scoped3A = tpu.sem_alloc : memref<!tpu.dma_semaphore, #tpu.memory_space<semaphore_mem>>
      %dma_start3A_196 = arith.constant 0 : i32
      %dma_start3A_197 = tpu.memref_slice %arg6[%add3A_152, %dma_start3A_196] : memref<20480x64xf32, #tpu.memory_space<hbm>> -> memref<128x64xf32, #tpu.memory_space<hbm>>
      %dma_start3A_198 = arith.constant 0 : i32
      %dma_start3A_199 = tpu.memref_slice %arg6[%add3A_152, %dma_start3A_198] : memref<20480x64xf32, #tpu.memory_space<hbm>> -> memref<128x64xf32, #tpu.memory_space<hbm>>
      tpu.enqueue_dma source(%arg16 : memref<128x64xf32, #tpu.memory_space<vmem>>) target(%dma_start3A_199 : memref<128x64xf32, #tpu.memory_space<hbm>>) target_semaphore(%run_scoped3A : memref<!tpu.dma_semaphore, #tpu.memory_space<semaphore_mem>>)
      %dma_wait3A_200 = arith.constant 0 : i32
      %dma_wait3A_201 = tpu.memref_slice %arg6[%add3A_152, %dma_wait3A_200] : memref<20480x64xf32, #tpu.memory_space<hbm>> -> memref<128x64xf32, #tpu.memory_space<hbm>>
      %dma_wait3A_202 = arith.constant 0 : i32
      %dma_wait3A_203 = tpu.memref_slice %arg6[%add3A_152, %dma_wait3A_202] : memref<20480x64xf32, #tpu.memory_space<hbm>> -> memref<128x64xf32, #tpu.memory_space<hbm>>
      tpu.wait_dma2 semaphore(%run_scoped3A : memref<!tpu.dma_semaphore, #tpu.memory_space<semaphore_mem>>) src(%arg16 : memref<128x64xf32, #tpu.memory_space<vmem>>) dst(%dma_wait3A_203 : memref<128x64xf32, #tpu.memory_space<hbm>>)
      tpu.yield
    }) : () -> ()
    "tpu.region"() ({
      %run_scoped3A = tpu.sem_alloc : memref<!tpu.dma_semaphore, #tpu.memory_space<semaphore_mem>>
      %dma_start3A_196 = arith.constant 0 : i32
      %dma_start3A_197 = tpu.memref_slice %arg25[%add3A_149, %dma_start3A_196] : memref<10240x16xf32, #tpu.memory_space<vmem_shared>> -> memref<128x16xf32, #tpu.memory_space<vmem_shared>>
      %dma_start3A_198 = arith.constant 0 : i32
      %dma_start3A_199 = tpu.memref_slice %arg25[%add3A_149, %dma_start3A_198] : memref<10240x16xf32, #tpu.memory_space<vmem_shared>> -> memref<128x16xf32, #tpu.memory_space<vmem_shared>>
      tpu.enqueue_dma source(%dma_start3A_199 : memref<128x16xf32, #tpu.memory_space<vmem_shared>>) target(%arg22 : memref<128x16xf32, #tpu.memory_space<vmem>>) target_semaphore(%run_scoped3A : memref<!tpu.dma_semaphore, #tpu.memory_space<semaphore_mem>>)
      %dma_wait3A_200 = arith.constant 0 : i32
      %dma_wait3A_201 = tpu.memref_slice %arg25[%add3A_149, %dma_wait3A_200] : memref<10240x16xf32, #tpu.memory_space<vmem_shared>> -> memref<128x16xf32, #tpu.memory_space<vmem_shared>>
      %dma_wait3A_202 = arith.constant 0 : i32
      %dma_wait3A_203 = tpu.memref_slice %arg25[%add3A_149, %dma_wait3A_202] : memref<10240x16xf32, #tpu.memory_space<vmem_shared>> -> memref<128x16xf32, #tpu.memory_space<vmem_shared>>
      tpu.wait_dma2 semaphore(%run_scoped3A : memref<!tpu.dma_semaphore, #tpu.memory_space<semaphore_mem>>) src(%dma_wait3A_203 : memref<128x16xf32, #tpu.memory_space<vmem_shared>>) dst(%arg22 : memref<128x16xf32, #tpu.memory_space<vmem>>)
      tpu.yield
    }) : () -> ()
    %mul3A_153 = arith.constant 10240 : i32
    %mul3A_154 = arith.muli %arg0, %mul3A_153 : i32
    %add3A_155 = arith.addi %mul3A_154, %add3A_149 : i32
    "tpu.region"() ({
      %run_scoped3A = tpu.sem_alloc : memref<!tpu.dma_semaphore, #tpu.memory_space<semaphore_mem>>
      %dma_start3A_196 = arith.constant 0 : i32
      %dma_start3A_197 = tpu.memref_slice %arg7[%add3A_155, %dma_start3A_196] : memref<20480x16xf32, #tpu.memory_space<hbm>> -> memref<128x16xf32, #tpu.memory_space<hbm>>
      %dma_start3A_198 = arith.constant 0 : i32
      %dma_start3A_199 = tpu.memref_slice %arg7[%add3A_155, %dma_start3A_198] : memref<20480x16xf32, #tpu.memory_space<hbm>> -> memref<128x16xf32, #tpu.memory_space<hbm>>
      tpu.enqueue_dma source(%arg22 : memref<128x16xf32, #tpu.memory_space<vmem>>) target(%dma_start3A_199 : memref<128x16xf32, #tpu.memory_space<hbm>>) target_semaphore(%run_scoped3A : memref<!tpu.dma_semaphore, #tpu.memory_space<semaphore_mem>>)
      %dma_wait3A_200 = arith.constant 0 : i32
      %dma_wait3A_201 = tpu.memref_slice %arg7[%add3A_155, %dma_wait3A_200] : memref<20480x16xf32, #tpu.memory_space<hbm>> -> memref<128x16xf32, #tpu.memory_space<hbm>>
      %dma_wait3A_202 = arith.constant 0 : i32
      %dma_wait3A_203 = tpu.memref_slice %arg7[%add3A_155, %dma_wait3A_202] : memref<20480x16xf32, #tpu.memory_space<hbm>> -> memref<128x16xf32, #tpu.memory_space<hbm>>
      tpu.wait_dma2 semaphore(%run_scoped3A : memref<!tpu.dma_semaphore, #tpu.memory_space<semaphore_mem>>) src(%arg22 : memref<128x16xf32, #tpu.memory_space<vmem>>) dst(%dma_wait3A_203 : memref<128x16xf32, #tpu.memory_space<hbm>>)
      tpu.yield
    }) : () -> ()
    %mul3A_156 = arith.constant 640 : i32
    %mul3A_157 = arith.muli %arg1, %mul3A_156 : i32
    %add3A_158 = arith.constant 128 : i32
    %add3A_159 = arith.addi %mul3A_157, %add3A_158 : i32
    "tpu.region"() ({
      %run_scoped3A = tpu.sem_alloc : memref<!tpu.dma_semaphore, #tpu.memory_space<semaphore_mem>>
      %dma_start3A_196 = arith.constant 0 : i32
      %dma_start3A_197 = tpu.memref_slice %arg24[%add3A_159, %dma_start3A_196] : memref<10240x64xf32, #tpu.memory_space<vmem_shared>> -> memref<128x64xf32, #tpu.memory_space<vmem_shared>>
      %dma_start3A_198 = arith.constant 0 : i32
      %dma_start3A_199 = tpu.memref_slice %arg24[%add3A_159, %dma_start3A_198] : memref<10240x64xf32, #tpu.memory_space<vmem_shared>> -> memref<128x64xf32, #tpu.memory_space<vmem_shared>>
      tpu.enqueue_dma source(%dma_start3A_199 : memref<128x64xf32, #tpu.memory_space<vmem_shared>>) target(%arg16 : memref<128x64xf32, #tpu.memory_space<vmem>>) target_semaphore(%run_scoped3A : memref<!tpu.dma_semaphore, #tpu.memory_space<semaphore_mem>>)
      %dma_wait3A_200 = arith.constant 0 : i32
      %dma_wait3A_201 = tpu.memref_slice %arg24[%add3A_159, %dma_wait3A_200] : memref<10240x64xf32, #tpu.memory_space<vmem_shared>> -> memref<128x64xf32, #tpu.memory_space<vmem_shared>>
      %dma_wait3A_202 = arith.constant 0 : i32
      %dma_wait3A_203 = tpu.memref_slice %arg24[%add3A_159, %dma_wait3A_202] : memref<10240x64xf32, #tpu.memory_space<vmem_shared>> -> memref<128x64xf32, #tpu.memory_space<vmem_shared>>
      tpu.wait_dma2 semaphore(%run_scoped3A : memref<!tpu.dma_semaphore, #tpu.memory_space<semaphore_mem>>) src(%dma_wait3A_203 : memref<128x64xf32, #tpu.memory_space<vmem_shared>>) dst(%arg16 : memref<128x64xf32, #tpu.memory_space<vmem>>)
      tpu.yield
    }) : () -> ()
    %mul3A_160 = arith.constant 10240 : i32
    %mul3A_161 = arith.muli %arg0, %mul3A_160 : i32
    %add3A_162 = arith.addi %mul3A_161, %add3A_159 : i32
    "tpu.region"() ({
      %run_scoped3A = tpu.sem_alloc : memref<!tpu.dma_semaphore, #tpu.memory_space<semaphore_mem>>
      %dma_start3A_196 = arith.constant 0 : i32
      %dma_start3A_197 = tpu.memref_slice %arg6[%add3A_162, %dma_start3A_196] : memref<20480x64xf32, #tpu.memory_space<hbm>> -> memref<128x64xf32, #tpu.memory_space<hbm>>
      %dma_start3A_198 = arith.constant 0 : i32
      %dma_start3A_199 = tpu.memref_slice %arg6[%add3A_162, %dma_start3A_198] : memref<20480x64xf32, #tpu.memory_space<hbm>> -> memref<128x64xf32, #tpu.memory_space<hbm>>
      tpu.enqueue_dma source(%arg16 : memref<128x64xf32, #tpu.memory_space<vmem>>) target(%dma_start3A_199 : memref<128x64xf32, #tpu.memory_space<hbm>>) target_semaphore(%run_scoped3A : memref<!tpu.dma_semaphore, #tpu.memory_space<semaphore_mem>>)
      %dma_wait3A_200 = arith.constant 0 : i32
      %dma_wait3A_201 = tpu.memref_slice %arg6[%add3A_162, %dma_wait3A_200] : memref<20480x64xf32, #tpu.memory_space<hbm>> -> memref<128x64xf32, #tpu.memory_space<hbm>>
      %dma_wait3A_202 = arith.constant 0 : i32
      %dma_wait3A_203 = tpu.memref_slice %arg6[%add3A_162, %dma_wait3A_202] : memref<20480x64xf32, #tpu.memory_space<hbm>> -> memref<128x64xf32, #tpu.memory_space<hbm>>
      tpu.wait_dma2 semaphore(%run_scoped3A : memref<!tpu.dma_semaphore, #tpu.memory_space<semaphore_mem>>) src(%arg16 : memref<128x64xf32, #tpu.memory_space<vmem>>) dst(%dma_wait3A_203 : memref<128x64xf32, #tpu.memory_space<hbm>>)
      tpu.yield
    }) : () -> ()
    "tpu.region"() ({
      %run_scoped3A = tpu.sem_alloc : memref<!tpu.dma_semaphore, #tpu.memory_space<semaphore_mem>>
      %dma_start3A_196 = arith.constant 0 : i32
      %dma_start3A_197 = tpu.memref_slice %arg25[%add3A_159, %dma_start3A_196] : memref<10240x16xf32, #tpu.memory_space<vmem_shared>> -> memref<128x16xf32, #tpu.memory_space<vmem_shared>>
      %dma_start3A_198 = arith.constant 0 : i32
      %dma_start3A_199 = tpu.memref_slice %arg25[%add3A_159, %dma_start3A_198] : memref<10240x16xf32, #tpu.memory_space<vmem_shared>> -> memref<128x16xf32, #tpu.memory_space<vmem_shared>>
      tpu.enqueue_dma source(%dma_start3A_199 : memref<128x16xf32, #tpu.memory_space<vmem_shared>>) target(%arg22 : memref<128x16xf32, #tpu.memory_space<vmem>>) target_semaphore(%run_scoped3A : memref<!tpu.dma_semaphore, #tpu.memory_space<semaphore_mem>>)
      %dma_wait3A_200 = arith.constant 0 : i32
      %dma_wait3A_201 = tpu.memref_slice %arg25[%add3A_159, %dma_wait3A_200] : memref<10240x16xf32, #tpu.memory_space<vmem_shared>> -> memref<128x16xf32, #tpu.memory_space<vmem_shared>>
      %dma_wait3A_202 = arith.constant 0 : i32
      %dma_wait3A_203 = tpu.memref_slice %arg25[%add3A_159, %dma_wait3A_202] : memref<10240x16xf32, #tpu.memory_space<vmem_shared>> -> memref<128x16xf32, #tpu.memory_space<vmem_shared>>
      tpu.wait_dma2 semaphore(%run_scoped3A : memref<!tpu.dma_semaphore, #tpu.memory_space<semaphore_mem>>) src(%dma_wait3A_203 : memref<128x16xf32, #tpu.memory_space<vmem_shared>>) dst(%arg22 : memref<128x16xf32, #tpu.memory_space<vmem>>)
      tpu.yield
    }) : () -> ()
    %mul3A_163 = arith.constant 10240 : i32
    %mul3A_164 = arith.muli %arg0, %mul3A_163 : i32
    %add3A_165 = arith.addi %mul3A_164, %add3A_159 : i32
    "tpu.region"() ({
      %run_scoped3A = tpu.sem_alloc : memref<!tpu.dma_semaphore, #tpu.memory_space<semaphore_mem>>
      %dma_start3A_196 = arith.constant 0 : i32
      %dma_start3A_197 = tpu.memref_slice %arg7[%add3A_165, %dma_start3A_196] : memref<20480x16xf32, #tpu.memory_space<hbm>> -> memref<128x16xf32, #tpu.memory_space<hbm>>
      %dma_start3A_198 = arith.constant 0 : i32
      %dma_start3A_199 = tpu.memref_slice %arg7[%add3A_165, %dma_start3A_198] : memref<20480x16xf32, #tpu.memory_space<hbm>> -> memref<128x16xf32, #tpu.memory_space<hbm>>
      tpu.enqueue_dma source(%arg22 : memref<128x16xf32, #tpu.memory_space<vmem>>) target(%dma_start3A_199 : memref<128x16xf32, #tpu.memory_space<hbm>>) target_semaphore(%run_scoped3A : memref<!tpu.dma_semaphore, #tpu.memory_space<semaphore_mem>>)
      %dma_wait3A_200 = arith.constant 0 : i32
      %dma_wait3A_201 = tpu.memref_slice %arg7[%add3A_165, %dma_wait3A_200] : memref<20480x16xf32, #tpu.memory_space<hbm>> -> memref<128x16xf32, #tpu.memory_space<hbm>>
      %dma_wait3A_202 = arith.constant 0 : i32
      %dma_wait3A_203 = tpu.memref_slice %arg7[%add3A_165, %dma_wait3A_202] : memref<20480x16xf32, #tpu.memory_space<hbm>> -> memref<128x16xf32, #tpu.memory_space<hbm>>
      tpu.wait_dma2 semaphore(%run_scoped3A : memref<!tpu.dma_semaphore, #tpu.memory_space<semaphore_mem>>) src(%arg22 : memref<128x16xf32, #tpu.memory_space<vmem>>) dst(%dma_wait3A_203 : memref<128x16xf32, #tpu.memory_space<hbm>>)
      tpu.yield
    }) : () -> ()
    %mul3A_166 = arith.constant 640 : i32
    %mul3A_167 = arith.muli %arg1, %mul3A_166 : i32
    %add3A_168 = arith.constant 256 : i32
    %add3A_169 = arith.addi %mul3A_167, %add3A_168 : i32
    "tpu.region"() ({
      %run_scoped3A = tpu.sem_alloc : memref<!tpu.dma_semaphore, #tpu.memory_space<semaphore_mem>>
      %dma_start3A_196 = arith.constant 0 : i32
      %dma_start3A_197 = tpu.memref_slice %arg24[%add3A_169, %dma_start3A_196] : memref<10240x64xf32, #tpu.memory_space<vmem_shared>> -> memref<128x64xf32, #tpu.memory_space<vmem_shared>>
      %dma_start3A_198 = arith.constant 0 : i32
      %dma_start3A_199 = tpu.memref_slice %arg24[%add3A_169, %dma_start3A_198] : memref<10240x64xf32, #tpu.memory_space<vmem_shared>> -> memref<128x64xf32, #tpu.memory_space<vmem_shared>>
      tpu.enqueue_dma source(%dma_start3A_199 : memref<128x64xf32, #tpu.memory_space<vmem_shared>>) target(%arg16 : memref<128x64xf32, #tpu.memory_space<vmem>>) target_semaphore(%run_scoped3A : memref<!tpu.dma_semaphore, #tpu.memory_space<semaphore_mem>>)
      %dma_wait3A_200 = arith.constant 0 : i32
      %dma_wait3A_201 = tpu.memref_slice %arg24[%add3A_169, %dma_wait3A_200] : memref<10240x64xf32, #tpu.memory_space<vmem_shared>> -> memref<128x64xf32, #tpu.memory_space<vmem_shared>>
      %dma_wait3A_202 = arith.constant 0 : i32
      %dma_wait3A_203 = tpu.memref_slice %arg24[%add3A_169, %dma_wait3A_202] : memref<10240x64xf32, #tpu.memory_space<vmem_shared>> -> memref<128x64xf32, #tpu.memory_space<vmem_shared>>
      tpu.wait_dma2 semaphore(%run_scoped3A : memref<!tpu.dma_semaphore, #tpu.memory_space<semaphore_mem>>) src(%dma_wait3A_203 : memref<128x64xf32, #tpu.memory_space<vmem_shared>>) dst(%arg16 : memref<128x64xf32, #tpu.memory_space<vmem>>)
      tpu.yield
    }) : () -> ()
    %mul3A_170 = arith.constant 10240 : i32
    %mul3A_171 = arith.muli %arg0, %mul3A_170 : i32
    %add3A_172 = arith.addi %mul3A_171, %add3A_169 : i32
    "tpu.region"() ({
      %run_scoped3A = tpu.sem_alloc : memref<!tpu.dma_semaphore, #tpu.memory_space<semaphore_mem>>
      %dma_start3A_196 = arith.constant 0 : i32
      %dma_start3A_197 = tpu.memref_slice %arg6[%add3A_172, %dma_start3A_196] : memref<20480x64xf32, #tpu.memory_space<hbm>> -> memref<128x64xf32, #tpu.memory_space<hbm>>
      %dma_start3A_198 = arith.constant 0 : i32
      %dma_start3A_199 = tpu.memref_slice %arg6[%add3A_172, %dma_start3A_198] : memref<20480x64xf32, #tpu.memory_space<hbm>> -> memref<128x64xf32, #tpu.memory_space<hbm>>
      tpu.enqueue_dma source(%arg16 : memref<128x64xf32, #tpu.memory_space<vmem>>) target(%dma_start3A_199 : memref<128x64xf32, #tpu.memory_space<hbm>>) target_semaphore(%run_scoped3A : memref<!tpu.dma_semaphore, #tpu.memory_space<semaphore_mem>>)
      %dma_wait3A_200 = arith.constant 0 : i32
      %dma_wait3A_201 = tpu.memref_slice %arg6[%add3A_172, %dma_wait3A_200] : memref<20480x64xf32, #tpu.memory_space<hbm>> -> memref<128x64xf32, #tpu.memory_space<hbm>>
      %dma_wait3A_202 = arith.constant 0 : i32
      %dma_wait3A_203 = tpu.memref_slice %arg6[%add3A_172, %dma_wait3A_202] : memref<20480x64xf32, #tpu.memory_space<hbm>> -> memref<128x64xf32, #tpu.memory_space<hbm>>
      tpu.wait_dma2 semaphore(%run_scoped3A : memref<!tpu.dma_semaphore, #tpu.memory_space<semaphore_mem>>) src(%arg16 : memref<128x64xf32, #tpu.memory_space<vmem>>) dst(%dma_wait3A_203 : memref<128x64xf32, #tpu.memory_space<hbm>>)
      tpu.yield
    }) : () -> ()
    "tpu.region"() ({
      %run_scoped3A = tpu.sem_alloc : memref<!tpu.dma_semaphore, #tpu.memory_space<semaphore_mem>>
      %dma_start3A_196 = arith.constant 0 : i32
      %dma_start3A_197 = tpu.memref_slice %arg25[%add3A_169, %dma_start3A_196] : memref<10240x16xf32, #tpu.memory_space<vmem_shared>> -> memref<128x16xf32, #tpu.memory_space<vmem_shared>>
      %dma_start3A_198 = arith.constant 0 : i32
      %dma_start3A_199 = tpu.memref_slice %arg25[%add3A_169, %dma_start3A_198] : memref<10240x16xf32, #tpu.memory_space<vmem_shared>> -> memref<128x16xf32, #tpu.memory_space<vmem_shared>>
      tpu.enqueue_dma source(%dma_start3A_199 : memref<128x16xf32, #tpu.memory_space<vmem_shared>>) target(%arg22 : memref<128x16xf32, #tpu.memory_space<vmem>>) target_semaphore(%run_scoped3A : memref<!tpu.dma_semaphore, #tpu.memory_space<semaphore_mem>>)
      %dma_wait3A_200 = arith.constant 0 : i32
      %dma_wait3A_201 = tpu.memref_slice %arg25[%add3A_169, %dma_wait3A_200] : memref<10240x16xf32, #tpu.memory_space<vmem_shared>> -> memref<128x16xf32, #tpu.memory_space<vmem_shared>>
      %dma_wait3A_202 = arith.constant 0 : i32
      %dma_wait3A_203 = tpu.memref_slice %arg25[%add3A_169, %dma_wait3A_202] : memref<10240x16xf32, #tpu.memory_space<vmem_shared>> -> memref<128x16xf32, #tpu.memory_space<vmem_shared>>
      tpu.wait_dma2 semaphore(%run_scoped3A : memref<!tpu.dma_semaphore, #tpu.memory_space<semaphore_mem>>) src(%dma_wait3A_203 : memref<128x16xf32, #tpu.memory_space<vmem_shared>>) dst(%arg22 : memref<128x16xf32, #tpu.memory_space<vmem>>)
      tpu.yield
    }) : () -> ()
    %mul3A_173 = arith.constant 10240 : i32
    %mul3A_174 = arith.muli %arg0, %mul3A_173 : i32
    %add3A_175 = arith.addi %mul3A_174, %add3A_169 : i32
    "tpu.region"() ({
      %run_scoped3A = tpu.sem_alloc : memref<!tpu.dma_semaphore, #tpu.memory_space<semaphore_mem>>
      %dma_start3A_196 = arith.constant 0 : i32
      %dma_start3A_197 = tpu.memref_slice %arg7[%add3A_175, %dma_start3A_196] : memref<20480x16xf32, #tpu.memory_space<hbm>> -> memref<128x16xf32, #tpu.memory_space<hbm>>
      %dma_start3A_198 = arith.constant 0 : i32
      %dma_start3A_199 = tpu.memref_slice %arg7[%add3A_175, %dma_start3A_198] : memref<20480x16xf32, #tpu.memory_space<hbm>> -> memref<128x16xf32, #tpu.memory_space<hbm>>
      tpu.enqueue_dma source(%arg22 : memref<128x16xf32, #tpu.memory_space<vmem>>) target(%dma_start3A_199 : memref<128x16xf32, #tpu.memory_space<hbm>>) target_semaphore(%run_scoped3A : memref<!tpu.dma_semaphore, #tpu.memory_space<semaphore_mem>>)
      %dma_wait3A_200 = arith.constant 0 : i32
      %dma_wait3A_201 = tpu.memref_slice %arg7[%add3A_175, %dma_wait3A_200] : memref<20480x16xf32, #tpu.memory_space<hbm>> -> memref<128x16xf32, #tpu.memory_space<hbm>>
      %dma_wait3A_202 = arith.constant 0 : i32
      %dma_wait3A_203 = tpu.memref_slice %arg7[%add3A_175, %dma_wait3A_202] : memref<20480x16xf32, #tpu.memory_space<hbm>> -> memref<128x16xf32, #tpu.memory_space<hbm>>
      tpu.wait_dma2 semaphore(%run_scoped3A : memref<!tpu.dma_semaphore, #tpu.memory_space<semaphore_mem>>) src(%arg22 : memref<128x16xf32, #tpu.memory_space<vmem>>) dst(%dma_wait3A_203 : memref<128x16xf32, #tpu.memory_space<hbm>>)
      tpu.yield
    }) : () -> ()
    %mul3A_176 = arith.constant 640 : i32
    %mul3A_177 = arith.muli %arg1, %mul3A_176 : i32
    %add3A_178 = arith.constant 384 : i32
    %add3A_179 = arith.addi %mul3A_177, %add3A_178 : i32
    "tpu.region"() ({
      %run_scoped3A = tpu.sem_alloc : memref<!tpu.dma_semaphore, #tpu.memory_space<semaphore_mem>>
      %dma_start3A_196 = arith.constant 0 : i32
      %dma_start3A_197 = tpu.memref_slice %arg24[%add3A_179, %dma_start3A_196] : memref<10240x64xf32, #tpu.memory_space<vmem_shared>> -> memref<128x64xf32, #tpu.memory_space<vmem_shared>>
      %dma_start3A_198 = arith.constant 0 : i32
      %dma_start3A_199 = tpu.memref_slice %arg24[%add3A_179, %dma_start3A_198] : memref<10240x64xf32, #tpu.memory_space<vmem_shared>> -> memref<128x64xf32, #tpu.memory_space<vmem_shared>>
      tpu.enqueue_dma source(%dma_start3A_199 : memref<128x64xf32, #tpu.memory_space<vmem_shared>>) target(%arg16 : memref<128x64xf32, #tpu.memory_space<vmem>>) target_semaphore(%run_scoped3A : memref<!tpu.dma_semaphore, #tpu.memory_space<semaphore_mem>>)
      %dma_wait3A_200 = arith.constant 0 : i32
      %dma_wait3A_201 = tpu.memref_slice %arg24[%add3A_179, %dma_wait3A_200] : memref<10240x64xf32, #tpu.memory_space<vmem_shared>> -> memref<128x64xf32, #tpu.memory_space<vmem_shared>>
      %dma_wait3A_202 = arith.constant 0 : i32
      %dma_wait3A_203 = tpu.memref_slice %arg24[%add3A_179, %dma_wait3A_202] : memref<10240x64xf32, #tpu.memory_space<vmem_shared>> -> memref<128x64xf32, #tpu.memory_space<vmem_shared>>
      tpu.wait_dma2 semaphore(%run_scoped3A : memref<!tpu.dma_semaphore, #tpu.memory_space<semaphore_mem>>) src(%dma_wait3A_203 : memref<128x64xf32, #tpu.memory_space<vmem_shared>>) dst(%arg16 : memref<128x64xf32, #tpu.memory_space<vmem>>)
      tpu.yield
    }) : () -> ()
    %mul3A_180 = arith.constant 10240 : i32
    %mul3A_181 = arith.muli %arg0, %mul3A_180 : i32
    %add3A_182 = arith.addi %mul3A_181, %add3A_179 : i32
    "tpu.region"() ({
      %run_scoped3A = tpu.sem_alloc : memref<!tpu.dma_semaphore, #tpu.memory_space<semaphore_mem>>
      %dma_start3A_196 = arith.constant 0 : i32
      %dma_start3A_197 = tpu.memref_slice %arg6[%add3A_182, %dma_start3A_196] : memref<20480x64xf32, #tpu.memory_space<hbm>> -> memref<128x64xf32, #tpu.memory_space<hbm>>
      %dma_start3A_198 = arith.constant 0 : i32
      %dma_start3A_199 = tpu.memref_slice %arg6[%add3A_182, %dma_start3A_198] : memref<20480x64xf32, #tpu.memory_space<hbm>> -> memref<128x64xf32, #tpu.memory_space<hbm>>
      tpu.enqueue_dma source(%arg16 : memref<128x64xf32, #tpu.memory_space<vmem>>) target(%dma_start3A_199 : memref<128x64xf32, #tpu.memory_space<hbm>>) target_semaphore(%run_scoped3A : memref<!tpu.dma_semaphore, #tpu.memory_space<semaphore_mem>>)
      %dma_wait3A_200 = arith.constant 0 : i32
      %dma_wait3A_201 = tpu.memref_slice %arg6[%add3A_182, %dma_wait3A_200] : memref<20480x64xf32, #tpu.memory_space<hbm>> -> memref<128x64xf32, #tpu.memory_space<hbm>>
      %dma_wait3A_202 = arith.constant 0 : i32
      %dma_wait3A_203 = tpu.memref_slice %arg6[%add3A_182, %dma_wait3A_202] : memref<20480x64xf32, #tpu.memory_space<hbm>> -> memref<128x64xf32, #tpu.memory_space<hbm>>
      tpu.wait_dma2 semaphore(%run_scoped3A : memref<!tpu.dma_semaphore, #tpu.memory_space<semaphore_mem>>) src(%arg16 : memref<128x64xf32, #tpu.memory_space<vmem>>) dst(%dma_wait3A_203 : memref<128x64xf32, #tpu.memory_space<hbm>>)
      tpu.yield
    }) : () -> ()
    "tpu.region"() ({
      %run_scoped3A = tpu.sem_alloc : memref<!tpu.dma_semaphore, #tpu.memory_space<semaphore_mem>>
      %dma_start3A_196 = arith.constant 0 : i32
      %dma_start3A_197 = tpu.memref_slice %arg25[%add3A_179, %dma_start3A_196] : memref<10240x16xf32, #tpu.memory_space<vmem_shared>> -> memref<128x16xf32, #tpu.memory_space<vmem_shared>>
      %dma_start3A_198 = arith.constant 0 : i32
      %dma_start3A_199 = tpu.memref_slice %arg25[%add3A_179, %dma_start3A_198] : memref<10240x16xf32, #tpu.memory_space<vmem_shared>> -> memref<128x16xf32, #tpu.memory_space<vmem_shared>>
      tpu.enqueue_dma source(%dma_start3A_199 : memref<128x16xf32, #tpu.memory_space<vmem_shared>>) target(%arg22 : memref<128x16xf32, #tpu.memory_space<vmem>>) target_semaphore(%run_scoped3A : memref<!tpu.dma_semaphore, #tpu.memory_space<semaphore_mem>>)
      %dma_wait3A_200 = arith.constant 0 : i32
      %dma_wait3A_201 = tpu.memref_slice %arg25[%add3A_179, %dma_wait3A_200] : memref<10240x16xf32, #tpu.memory_space<vmem_shared>> -> memref<128x16xf32, #tpu.memory_space<vmem_shared>>
      %dma_wait3A_202 = arith.constant 0 : i32
      %dma_wait3A_203 = tpu.memref_slice %arg25[%add3A_179, %dma_wait3A_202] : memref<10240x16xf32, #tpu.memory_space<vmem_shared>> -> memref<128x16xf32, #tpu.memory_space<vmem_shared>>
      tpu.wait_dma2 semaphore(%run_scoped3A : memref<!tpu.dma_semaphore, #tpu.memory_space<semaphore_mem>>) src(%dma_wait3A_203 : memref<128x16xf32, #tpu.memory_space<vmem_shared>>) dst(%arg22 : memref<128x16xf32, #tpu.memory_space<vmem>>)
      tpu.yield
    }) : () -> ()
    %mul3A_183 = arith.constant 10240 : i32
    %mul3A_184 = arith.muli %arg0, %mul3A_183 : i32
    %add3A_185 = arith.addi %mul3A_184, %add3A_179 : i32
    "tpu.region"() ({
      %run_scoped3A = tpu.sem_alloc : memref<!tpu.dma_semaphore, #tpu.memory_space<semaphore_mem>>
      %dma_start3A_196 = arith.constant 0 : i32
      %dma_start3A_197 = tpu.memref_slice %arg7[%add3A_185, %dma_start3A_196] : memref<20480x16xf32, #tpu.memory_space<hbm>> -> memref<128x16xf32, #tpu.memory_space<hbm>>
      %dma_start3A_198 = arith.constant 0 : i32
      %dma_start3A_199 = tpu.memref_slice %arg7[%add3A_185, %dma_start3A_198] : memref<20480x16xf32, #tpu.memory_space<hbm>> -> memref<128x16xf32, #tpu.memory_space<hbm>>
      tpu.enqueue_dma source(%arg22 : memref<128x16xf32, #tpu.memory_space<vmem>>) target(%dma_start3A_199 : memref<128x16xf32, #tpu.memory_space<hbm>>) target_semaphore(%run_scoped3A : memref<!tpu.dma_semaphore, #tpu.memory_space<semaphore_mem>>)
      %dma_wait3A_200 = arith.constant 0 : i32
      %dma_wait3A_201 = tpu.memref_slice %arg7[%add3A_185, %dma_wait3A_200] : memref<20480x16xf32, #tpu.memory_space<hbm>> -> memref<128x16xf32, #tpu.memory_space<hbm>>
      %dma_wait3A_202 = arith.constant 0 : i32
      %dma_wait3A_203 = tpu.memref_slice %arg7[%add3A_185, %dma_wait3A_202] : memref<20480x16xf32, #tpu.memory_space<hbm>> -> memref<128x16xf32, #tpu.memory_space<hbm>>
      tpu.wait_dma2 semaphore(%run_scoped3A : memref<!tpu.dma_semaphore, #tpu.memory_space<semaphore_mem>>) src(%arg22 : memref<128x16xf32, #tpu.memory_space<vmem>>) dst(%dma_wait3A_203 : memref<128x16xf32, #tpu.memory_space<hbm>>)
      tpu.yield
    }) : () -> ()
    %mul3A_186 = arith.constant 640 : i32
    %mul3A_187 = arith.muli %arg1, %mul3A_186 : i32
    %add3A_188 = arith.constant 512 : i32
    %add3A_189 = arith.addi %mul3A_187, %add3A_188 : i32
    "tpu.region"() ({
      %run_scoped3A = tpu.sem_alloc : memref<!tpu.dma_semaphore, #tpu.memory_space<semaphore_mem>>
      %dma_start3A_196 = arith.constant 0 : i32
      %dma_start3A_197 = tpu.memref_slice %arg24[%add3A_189, %dma_start3A_196] : memref<10240x64xf32, #tpu.memory_space<vmem_shared>> -> memref<128x64xf32, #tpu.memory_space<vmem_shared>>
      %dma_start3A_198 = arith.constant 0 : i32
      %dma_start3A_199 = tpu.memref_slice %arg24[%add3A_189, %dma_start3A_198] : memref<10240x64xf32, #tpu.memory_space<vmem_shared>> -> memref<128x64xf32, #tpu.memory_space<vmem_shared>>
      tpu.enqueue_dma source(%dma_start3A_199 : memref<128x64xf32, #tpu.memory_space<vmem_shared>>) target(%arg16 : memref<128x64xf32, #tpu.memory_space<vmem>>) target_semaphore(%run_scoped3A : memref<!tpu.dma_semaphore, #tpu.memory_space<semaphore_mem>>)
      %dma_wait3A_200 = arith.constant 0 : i32
      %dma_wait3A_201 = tpu.memref_slice %arg24[%add3A_189, %dma_wait3A_200] : memref<10240x64xf32, #tpu.memory_space<vmem_shared>> -> memref<128x64xf32, #tpu.memory_space<vmem_shared>>
      %dma_wait3A_202 = arith.constant 0 : i32
      %dma_wait3A_203 = tpu.memref_slice %arg24[%add3A_189, %dma_wait3A_202] : memref<10240x64xf32, #tpu.memory_space<vmem_shared>> -> memref<128x64xf32, #tpu.memory_space<vmem_shared>>
      tpu.wait_dma2 semaphore(%run_scoped3A : memref<!tpu.dma_semaphore, #tpu.memory_space<semaphore_mem>>) src(%dma_wait3A_203 : memref<128x64xf32, #tpu.memory_space<vmem_shared>>) dst(%arg16 : memref<128x64xf32, #tpu.memory_space<vmem>>)
      tpu.yield
    }) : () -> ()
    %mul3A_190 = arith.constant 10240 : i32
    %mul3A_191 = arith.muli %arg0, %mul3A_190 : i32
    %add3A_192 = arith.addi %mul3A_191, %add3A_189 : i32
    "tpu.region"() ({
      %run_scoped3A = tpu.sem_alloc : memref<!tpu.dma_semaphore, #tpu.memory_space<semaphore_mem>>
      %dma_start3A_196 = arith.constant 0 : i32
      %dma_start3A_197 = tpu.memref_slice %arg6[%add3A_192, %dma_start3A_196] : memref<20480x64xf32, #tpu.memory_space<hbm>> -> memref<128x64xf32, #tpu.memory_space<hbm>>
      %dma_start3A_198 = arith.constant 0 : i32
      %dma_start3A_199 = tpu.memref_slice %arg6[%add3A_192, %dma_start3A_198] : memref<20480x64xf32, #tpu.memory_space<hbm>> -> memref<128x64xf32, #tpu.memory_space<hbm>>
      tpu.enqueue_dma source(%arg16 : memref<128x64xf32, #tpu.memory_space<vmem>>) target(%dma_start3A_199 : memref<128x64xf32, #tpu.memory_space<hbm>>) target_semaphore(%run_scoped3A : memref<!tpu.dma_semaphore, #tpu.memory_space<semaphore_mem>>)
      %dma_wait3A_200 = arith.constant 0 : i32
      %dma_wait3A_201 = tpu.memref_slice %arg6[%add3A_192, %dma_wait3A_200] : memref<20480x64xf32, #tpu.memory_space<hbm>> -> memref<128x64xf32, #tpu.memory_space<hbm>>
      %dma_wait3A_202 = arith.constant 0 : i32
      %dma_wait3A_203 = tpu.memref_slice %arg6[%add3A_192, %dma_wait3A_202] : memref<20480x64xf32, #tpu.memory_space<hbm>> -> memref<128x64xf32, #tpu.memory_space<hbm>>
      tpu.wait_dma2 semaphore(%run_scoped3A : memref<!tpu.dma_semaphore, #tpu.memory_space<semaphore_mem>>) src(%arg16 : memref<128x64xf32, #tpu.memory_space<vmem>>) dst(%dma_wait3A_203 : memref<128x64xf32, #tpu.memory_space<hbm>>)
      tpu.yield
    }) : () -> ()
    "tpu.region"() ({
      %run_scoped3A = tpu.sem_alloc : memref<!tpu.dma_semaphore, #tpu.memory_space<semaphore_mem>>
      %dma_start3A_196 = arith.constant 0 : i32
      %dma_start3A_197 = tpu.memref_slice %arg25[%add3A_189, %dma_start3A_196] : memref<10240x16xf32, #tpu.memory_space<vmem_shared>> -> memref<128x16xf32, #tpu.memory_space<vmem_shared>>
      %dma_start3A_198 = arith.constant 0 : i32
      %dma_start3A_199 = tpu.memref_slice %arg25[%add3A_189, %dma_start3A_198] : memref<10240x16xf32, #tpu.memory_space<vmem_shared>> -> memref<128x16xf32, #tpu.memory_space<vmem_shared>>
      tpu.enqueue_dma source(%dma_start3A_199 : memref<128x16xf32, #tpu.memory_space<vmem_shared>>) target(%arg22 : memref<128x16xf32, #tpu.memory_space<vmem>>) target_semaphore(%run_scoped3A : memref<!tpu.dma_semaphore, #tpu.memory_space<semaphore_mem>>)
      %dma_wait3A_200 = arith.constant 0 : i32
      %dma_wait3A_201 = tpu.memref_slice %arg25[%add3A_189, %dma_wait3A_200] : memref<10240x16xf32, #tpu.memory_space<vmem_shared>> -> memref<128x16xf32, #tpu.memory_space<vmem_shared>>
      %dma_wait3A_202 = arith.constant 0 : i32
      %dma_wait3A_203 = tpu.memref_slice %arg25[%add3A_189, %dma_wait3A_202] : memref<10240x16xf32, #tpu.memory_space<vmem_shared>> -> memref<128x16xf32, #tpu.memory_space<vmem_shared>>
      tpu.wait_dma2 semaphore(%run_scoped3A : memref<!tpu.dma_semaphore, #tpu.memory_space<semaphore_mem>>) src(%dma_wait3A_203 : memref<128x16xf32, #tpu.memory_space<vmem_shared>>) dst(%arg22 : memref<128x16xf32, #tpu.memory_space<vmem>>)
      tpu.yield
    }) : () -> ()
    %mul3A_193 = arith.constant 10240 : i32
    %mul3A_194 = arith.muli %arg0, %mul3A_193 : i32
    %add3A_195 = arith.addi %mul3A_194, %add3A_189 : i32
    "tpu.region"() ({
      %run_scoped3A = tpu.sem_alloc : memref<!tpu.dma_semaphore, #tpu.memory_space<semaphore_mem>>
      %dma_start3A_196 = arith.constant 0 : i32
      %dma_start3A_197 = tpu.memref_slice %arg7[%add3A_195, %dma_start3A_196] : memref<20480x16xf32, #tpu.memory_space<hbm>> -> memref<128x16xf32, #tpu.memory_space<hbm>>
      %dma_start3A_198 = arith.constant 0 : i32
      %dma_start3A_199 = tpu.memref_slice %arg7[%add3A_195, %dma_start3A_198] : memref<20480x16xf32, #tpu.memory_space<hbm>> -> memref<128x16xf32, #tpu.memory_space<hbm>>
      tpu.enqueue_dma source(%arg22 : memref<128x16xf32, #tpu.memory_space<vmem>>) target(%dma_start3A_199 : memref<128x16xf32, #tpu.memory_space<hbm>>) target_semaphore(%run_scoped3A : memref<!tpu.dma_semaphore, #tpu.memory_space<semaphore_mem>>)
      %dma_wait3A_200 = arith.constant 0 : i32
      %dma_wait3A_201 = tpu.memref_slice %arg7[%add3A_195, %dma_wait3A_200] : memref<20480x16xf32, #tpu.memory_space<hbm>> -> memref<128x16xf32, #tpu.memory_space<hbm>>
      %dma_wait3A_202 = arith.constant 0 : i32
      %dma_wait3A_203 = tpu.memref_slice %arg7[%add3A_195, %dma_wait3A_202] : memref<20480x16xf32, #tpu.memory_space<hbm>> -> memref<128x16xf32, #tpu.memory_space<hbm>>
      tpu.wait_dma2 semaphore(%run_scoped3A : memref<!tpu.dma_semaphore, #tpu.memory_space<semaphore_mem>>) src(%arg22 : memref<128x16xf32, #tpu.memory_space<vmem>>) dst(%dma_wait3A_203 : memref<128x16xf32, #tpu.memory_space<hbm>>)
      tpu.yield
    }) : () -> ()
    return
  }
}

module attributes {stable_mosaic.version = 14 : i64} {
  func.func @_tc_body(%arg0: i32, %arg1: memref<512x128xf32, #tpu.memory_space<vmem>>, %arg2: memref<2x512x64xf32, #tpu.memory_space<vmem>>, %arg3: memref<2x512x16xf32, #tpu.memory_space<vmem>>, %arg4: memref<144x128xf32, #tpu.memory_space<vmem>>, %arg5: memref<128x128xf32, #tpu.memory_space<vmem>>, %arg6: memref<256x128xf32, #tpu.memory_space<vmem>>, %arg7: memref<1x128xf32, #tpu.memory_space<vmem>>, %arg8: memref<128x128xf32, #tpu.memory_space<vmem>>, %arg9: memref<1x128xf32, #tpu.memory_space<vmem>>, %arg10: memref<1x128xf32, #tpu.memory_space<vmem>>, %arg11: memref<1x128xf32, #tpu.memory_space<vmem>>, %arg12: memref<512x128xf32, #tpu.memory_space<vmem>>) attributes {dimension_semantics = [#tpu.dimension_semantics<arbitrary>], iteration_bounds = array<i64: 20>, scalar_prefetch = 0 : i64, scratch_operands = 0 : i64, tpu.core_type = #tpu.core_type<tc>, window_params = [{transform_indices = @transform_0, window_bounds = array<i64: 512, 128>}, {transform_indices = @transform_1, window_bounds = array<i64: 2, 512, 64>}, {transform_indices = @transform_2, window_bounds = array<i64: 2, 512, 16>}, {pipeline_mode = #tpu.pipeline_mode<synchronous>, transform_indices = @transform_3, window_bounds = array<i64: 144, 128>}, {pipeline_mode = #tpu.pipeline_mode<synchronous>, transform_indices = @transform_4, window_bounds = array<i64: 128, 128>}, {pipeline_mode = #tpu.pipeline_mode<synchronous>, transform_indices = @transform_5, window_bounds = array<i64: 256, 128>}, {pipeline_mode = #tpu.pipeline_mode<synchronous>, transform_indices = @transform_6, window_bounds = array<i64: 1, 128>}, {pipeline_mode = #tpu.pipeline_mode<synchronous>, transform_indices = @transform_7, window_bounds = array<i64: 128, 128>}, {pipeline_mode = #tpu.pipeline_mode<synchronous>, transform_indices = @transform_8, window_bounds = array<i64: 1, 128>}, {pipeline_mode = #tpu.pipeline_mode<synchronous>, transform_indices = @transform_9, window_bounds = array<i64: 1, 128>}, {pipeline_mode = #tpu.pipeline_mode<synchronous>, transform_indices = @transform_10, window_bounds = array<i64: 1, 128>}, {transform_indices = @transform_11, window_bounds = array<i64: 512, 128>}]} {
    %get3A = arith.constant 0 : index
    %get3A_0 = arith.constant 0 : index
    %get3A_1 = vector.load %arg1[%get3A, %get3A_0] : memref<512x128xf32, #tpu.memory_space<vmem>>, vector<512x128xf32>
    %get3A_2 = arith.constant 0 : index
    %get3A_3 = arith.constant 0 : index
    %get3A_4 = arith.constant 0 : index
    %get3A_5 = vector.load %arg2[%get3A_2, %get3A_3, %get3A_4] : memref<2x512x64xf32, #tpu.memory_space<vmem>>, vector<1x512x64xf32>
    %get3A_6 = vector.shape_cast %get3A_5 : vector<1x512x64xf32> to vector<512x64xf32>
    %get3A_7 = arith.constant 1 : index
    %get3A_8 = arith.constant 0 : index
    %get3A_9 = arith.constant 0 : index
    %get3A_10 = vector.load %arg2[%get3A_7, %get3A_8, %get3A_9] : memref<2x512x64xf32, #tpu.memory_space<vmem>>, vector<1x512x64xf32>
    %get3A_11 = vector.shape_cast %get3A_10 : vector<1x512x64xf32> to vector<512x64xf32>
    %concatenate3A = tpu.concatenate %get3A_6, %get3A_11 in 1 : vector<512x64xf32>, vector<512x64xf32> -> vector<512x128xf32>
    %get3A_12 = arith.constant 0 : index
    %get3A_13 = arith.constant 0 : index
    %get3A_14 = arith.constant 0 : index
    %get3A_15 = vector.load %arg3[%get3A_12, %get3A_13, %get3A_14] : memref<2x512x16xf32, #tpu.memory_space<vmem>>, vector<1x512x16xf32>
    %get3A_16 = vector.shape_cast %get3A_15 : vector<1x512x16xf32> to vector<512x16xf32>
    %get3A_17 = arith.constant 1 : index
    %get3A_18 = arith.constant 0 : index
    %get3A_19 = arith.constant 0 : index
    %get3A_20 = vector.load %arg3[%get3A_17, %get3A_18, %get3A_19] : memref<2x512x16xf32, #tpu.memory_space<vmem>>, vector<1x512x16xf32>
    %get3A_21 = vector.shape_cast %get3A_20 : vector<1x512x16xf32> to vector<512x16xf32>
    %add3A = arith.addf %get3A_16, %get3A_21 : vector<512x16xf32>
    %get3A_22 = arith.constant 0 : index
    %get3A_23 = arith.constant 0 : index
    %get3A_24 = vector.load %arg4[%get3A_22, %get3A_23] : memref<144x128xf32, #tpu.memory_space<vmem>>, vector<128x128xf32>
    %dot_general3A = arith.constant dense<0.000000e+00> : vector<512x128xf32>
    %dot_general3A_25 = tpu.matmul %concatenate3A, %get3A_24, %dot_general3A {dimension_numbers = #tpu.dot_dimension_numbers<[1], [0], [0], [1], [0, 0, 1, 1], [], []>, precision = #tpu.contract_precision<fp32>, transpose_lhs_hint = false} : vector<512x128xf32>, vector<128x128xf32>, vector<512x128xf32> -> vector<512x128xf32>
    %get3A_26 = arith.constant 128 : index
    %get3A_27 = arith.constant 0 : index
    %get3A_28 = vector.load %arg4[%get3A_26, %get3A_27] : memref<144x128xf32, #tpu.memory_space<vmem>>, vector<16x128xf32>
    %dot_general3A_29 = arith.constant dense<0.000000e+00> : vector<512x128xf32>
    %dot_general3A_30 = tpu.matmul %add3A, %get3A_28, %dot_general3A_29 {dimension_numbers = #tpu.dot_dimension_numbers<[1], [0], [0], [1], [0, 0, 1, 1], [], []>, precision = #tpu.contract_precision<fp32>, transpose_lhs_hint = false} : vector<512x16xf32>, vector<16x128xf32>, vector<512x128xf32> -> vector<512x128xf32>
    %add3A_31 = arith.addf %dot_general3A_25, %dot_general3A_30 : vector<512x128xf32>
    %get3A_32 = arith.constant 0 : index
    %get3A_33 = arith.constant 0 : index
    %get3A_34 = vector.load %arg6[%get3A_32, %get3A_33] : memref<256x128xf32, #tpu.memory_space<vmem>>, vector<128x128xf32>
    %dot_general3A_35 = arith.constant dense<0.000000e+00> : vector<512x128xf32>
    %dot_general3A_36 = tpu.matmul %get3A_1, %get3A_34, %dot_general3A_35 {dimension_numbers = #tpu.dot_dimension_numbers<[1], [0], [0], [1], [0, 0, 1, 1], [], []>, precision = #tpu.contract_precision<fp32>, transpose_lhs_hint = false} : vector<512x128xf32>, vector<128x128xf32>, vector<512x128xf32> -> vector<512x128xf32>
    %get3A_37 = arith.constant 128 : index
    %get3A_38 = arith.constant 0 : index
    %get3A_39 = vector.load %arg6[%get3A_37, %get3A_38] : memref<256x128xf32, #tpu.memory_space<vmem>>, vector<128x128xf32>
    %dot_general3A_40 = arith.constant dense<0.000000e+00> : vector<512x128xf32>
    %dot_general3A_41 = tpu.matmul %add3A_31, %get3A_39, %dot_general3A_40 {dimension_numbers = #tpu.dot_dimension_numbers<[1], [0], [0], [1], [0, 0, 1, 1], [], []>, precision = #tpu.contract_precision<fp32>, transpose_lhs_hint = false} : vector<512x128xf32>, vector<128x128xf32>, vector<512x128xf32> -> vector<512x128xf32>
    %add3A_42 = arith.addf %dot_general3A_36, %dot_general3A_41 : vector<512x128xf32>
    %get3A_43 = arith.constant 0 : index
    %get3A_44 = arith.constant 0 : index
    %get3A_45 = vector.load %arg7[%get3A_43, %get3A_44] : memref<1x128xf32, #tpu.memory_space<vmem>>, vector<1x128xf32>
    %add3A_46 = vector.broadcast %get3A_45 : vector<1x128xf32> to vector<512x128xf32>
    %add3A_47 = arith.addf %add3A_42, %add3A_46 : vector<512x128xf32>
    %max3A = arith.constant 0.000000e+00 : f32
    %max3A_48 = vector.broadcast %max3A : f32 to vector<512x128xf32>
    %max3A_49 = arith.maximumf %add3A_47, %max3A_48 : vector<512x128xf32>
    %get3A_50 = arith.constant 0 : index
    %get3A_51 = arith.constant 0 : index
    %get3A_52 = vector.load %arg8[%get3A_50, %get3A_51] : memref<128x128xf32, #tpu.memory_space<vmem>>, vector<128x128xf32>
    %dot_general3A_53 = arith.constant dense<0.000000e+00> : vector<512x128xf32>
    %dot_general3A_54 = tpu.matmul %max3A_49, %get3A_52, %dot_general3A_53 {dimension_numbers = #tpu.dot_dimension_numbers<[1], [0], [0], [1], [0, 0, 1, 1], [], []>, precision = #tpu.contract_precision<fp32>, transpose_lhs_hint = false} : vector<512x128xf32>, vector<128x128xf32>, vector<512x128xf32> -> vector<512x128xf32>
    %get3A_55 = arith.constant 0 : index
    %get3A_56 = arith.constant 0 : index
    %get3A_57 = vector.load %arg9[%get3A_55, %get3A_56] : memref<1x128xf32, #tpu.memory_space<vmem>>, vector<1x128xf32>
    %add3A_58 = vector.broadcast %get3A_57 : vector<1x128xf32> to vector<512x128xf32>
    %add3A_59 = arith.addf %dot_general3A_54, %add3A_58 : vector<512x128xf32>
    %get3A_60 = arith.constant 0 : index
    %get3A_61 = arith.constant 0 : index
    %get3A_62 = vector.load %arg5[%get3A_60, %get3A_61] : memref<128x128xf32, #tpu.memory_space<vmem>>, vector<128x128xf32>
    %dot_general3A_63 = arith.constant dense<0.000000e+00> : vector<512x128xf32>
    %dot_general3A_64 = tpu.matmul %get3A_1, %get3A_62, %dot_general3A_63 {dimension_numbers = #tpu.dot_dimension_numbers<[1], [0], [0], [1], [0, 0, 1, 1], [], []>, precision = #tpu.contract_precision<fp32>, transpose_lhs_hint = false} : vector<512x128xf32>, vector<128x128xf32>, vector<512x128xf32> -> vector<512x128xf32>
    %add3A_65 = arith.addf %add3A_59, %dot_general3A_64 : vector<512x128xf32>
    %reduce_sum3A = arith.constant dense<0.000000e+00> : vector<512xf32>
    %reduce_sum3A_66 = vector.multi_reduction <add>, %add3A_65, %reduce_sum3A [1] : vector<512x128xf32> to vector<512xf32>
    %broadcast_in_dim3A = vector.shape_cast %reduce_sum3A_66 : vector<512xf32> to vector<512x1xf32>
    %div3A = arith.constant 1.280000e+02 : f32
    %div3A_67 = vector.broadcast %div3A : f32 to vector<512x1xf32>
    %div3A_68 = arith.divf %broadcast_in_dim3A, %div3A_67 : vector<512x1xf32>
    %sub3A = vector.broadcast %div3A_68 : vector<512x1xf32> to vector<512x128xf32>
    %sub3A_69 = arith.subf %add3A_65, %sub3A : vector<512x128xf32>
    %mul3A = arith.mulf %sub3A_69, %sub3A_69 : vector<512x128xf32>
    %reduce_sum3A_70 = arith.constant dense<0.000000e+00> : vector<512xf32>
    %reduce_sum3A_71 = vector.multi_reduction <add>, %mul3A, %reduce_sum3A_70 [1] : vector<512x128xf32> to vector<512xf32>
    %broadcast_in_dim3A_72 = vector.shape_cast %reduce_sum3A_71 : vector<512xf32> to vector<512x1xf32>
    %div3A_73 = arith.constant 1.280000e+02 : f32
    %div3A_74 = vector.broadcast %div3A_73 : f32 to vector<512x1xf32>
    %div3A_75 = arith.divf %broadcast_in_dim3A_72, %div3A_74 : vector<512x1xf32>
    %add3A_76 = arith.constant 9.99999997E-7 : f32
    %add3A_77 = vector.broadcast %add3A_76 : f32 to vector<512x1xf32>
    %add3A_78 = arith.addf %div3A_75, %add3A_77 : vector<512x1xf32>
    %rsqrt3A = math.rsqrt %add3A_78 : vector<512x1xf32>
    %mul3A_79 = vector.broadcast %rsqrt3A : vector<512x1xf32> to vector<512x128xf32>
    %mul3A_80 = arith.mulf %sub3A_69, %mul3A_79 : vector<512x128xf32>
    %get3A_81 = arith.constant 0 : index
    %get3A_82 = arith.constant 0 : index
    %get3A_83 = vector.load %arg10[%get3A_81, %get3A_82] : memref<1x128xf32, #tpu.memory_space<vmem>>, vector<1x128xf32>
    %mul3A_84 = vector.broadcast %get3A_83 : vector<1x128xf32> to vector<512x128xf32>
    %mul3A_85 = arith.mulf %mul3A_80, %mul3A_84 : vector<512x128xf32>
    %get3A_86 = arith.constant 0 : index
    %get3A_87 = arith.constant 0 : index
    %get3A_88 = vector.load %arg11[%get3A_86, %get3A_87] : memref<1x128xf32, #tpu.memory_space<vmem>>, vector<1x128xf32>
    %add3A_89 = vector.broadcast %get3A_88 : vector<1x128xf32> to vector<512x128xf32>
    %add3A_90 = arith.addf %mul3A_85, %add3A_89 : vector<512x128xf32>
    %swap3A = arith.constant 0 : index
    %swap3A_91 = arith.constant 0 : index
    %swap3A_92 = vector.load %arg12[%swap3A, %swap3A_91] : memref<512x128xf32, #tpu.memory_space<vmem>>, vector<512x128xf32>
    tpu.vector_store %arg12[%swap3A, %swap3A_91], %add3A_90 {strides = array<i32>} : memref<512x128xf32, #tpu.memory_space<vmem>>, vector<512x128xf32>,
    return
  }
  func.func @transform_0(%arg0: i32) -> (i32, i32) {
    %c0_i32 = arith.constant 0 : i32
    %c0_i32_0 = arith.constant 0 : i32
    return %arg0, %c0_i32 : i32, i32
  }
  func.func @transform_1(%arg0: i32) -> (i32, i32, i32) {
    %c0_i32 = arith.constant 0 : i32
    %c0_i32_0 = arith.constant 0 : i32
    %c0_i32_1 = arith.constant 0 : i32
    return %c0_i32, %arg0, %c0_i32_0 : i32, i32, i32
  }
  func.func @transform_2(%arg0: i32) -> (i32, i32, i32) {
    %c0_i32 = arith.constant 0 : i32
    %c0_i32_0 = arith.constant 0 : i32
    %c0_i32_1 = arith.constant 0 : i32
    return %c0_i32, %arg0, %c0_i32_0 : i32, i32, i32
  }
  func.func @transform_3(%arg0: i32) -> (i32, i32) {
    %c0_i32 = arith.constant 0 : i32
    %c0_i32_0 = arith.constant 0 : i32
    %c0_i32_1 = arith.constant 0 : i32
    return %c0_i32, %c0_i32_0 : i32, i32
  }
  func.func @transform_4(%arg0: i32) -> (i32, i32) {
    %c0_i32 = arith.constant 0 : i32
    %c0_i32_0 = arith.constant 0 : i32
    %c0_i32_1 = arith.constant 0 : i32
    return %c0_i32, %c0_i32_0 : i32, i32
  }
  func.func @transform_5(%arg0: i32) -> (i32, i32) {
    %c0_i32 = arith.constant 0 : i32
    %c0_i32_0 = arith.constant 0 : i32
    %c0_i32_1 = arith.constant 0 : i32
    return %c0_i32, %c0_i32_0 : i32, i32
  }
  func.func @transform_6(%arg0: i32) -> (i32, i32) {
    %c0_i32 = arith.constant 0 : i32
    %c0_i32_0 = arith.constant 0 : i32
    %c0_i32_1 = arith.constant 0 : i32
    return %c0_i32, %c0_i32_0 : i32, i32
  }
  func.func @transform_7(%arg0: i32) -> (i32, i32) {
    %c0_i32 = arith.constant 0 : i32
    %c0_i32_0 = arith.constant 0 : i32
    %c0_i32_1 = arith.constant 0 : i32
    return %c0_i32, %c0_i32_0 : i32, i32
  }
  func.func @transform_8(%arg0: i32) -> (i32, i32) {
    %c0_i32 = arith.constant 0 : i32
    %c0_i32_0 = arith.constant 0 : i32
    %c0_i32_1 = arith.constant 0 : i32
    return %c0_i32, %c0_i32_0 : i32, i32
  }
  func.func @transform_9(%arg0: i32) -> (i32, i32) {
    %c0_i32 = arith.constant 0 : i32
    %c0_i32_0 = arith.constant 0 : i32
    %c0_i32_1 = arith.constant 0 : i32
    return %c0_i32, %c0_i32_0 : i32, i32
  }
  func.func @transform_10(%arg0: i32) -> (i32, i32) {
    %c0_i32 = arith.constant 0 : i32
    %c0_i32_0 = arith.constant 0 : i32
    %c0_i32_1 = arith.constant 0 : i32
    return %c0_i32, %c0_i32_0 : i32, i32
  }
  func.func @transform_11(%arg0: i32) -> (i32, i32) {
    %c0_i32 = arith.constant 0 : i32
    %c0_i32_0 = arith.constant 0 : i32
    return %arg0, %c0_i32 : i32, i32
  }
}

</mosaic_0001>

<sc_bundles>
// kernel: kernel.4.cloned.1.call-start
scs
__scs_entry_jumppad:
0x0: {  	(pc) =	sbr.rel $0x88, $3  }
0x1: {  	(tag) =	ssettag $0x0;
	lr =	simm.s32 $0x1  }
0x2: {  	[smem:$0x3F95] =	sst lr;
	_ =	strace $0xD0000000  }
0x3: {  	_ = 	snop  }
0x4: {  	_ = 	snop  }
0x5: {  	_ = 	snop  }
0x6: {  	_ = 	snop  }
0x7: {  	_ = 	snop  }
__scs_overlays_trampoline_lowered:
0x8: {  	[smem:$0x3FA4] =	sst s0  }
0x9: {  	[smem:$0x3FA5] =	sst s1  }
0xa: {  	[smem:$0x3FA6] =	sst s2  }
0xb: {  	[smem:$0x3FA7] =	sst s3  }
0xc: {  	[smem:$0x3FA8] =	sst s4  }
0xd: {  	[smem:$0x3FA9] =	sst s5  }
0xe: {  	[smem:$0x3FAA] =	sst s6  }
0xf: {  	[smem:$0x3FAB] =	sst s7  }
0x10: {  	[smem:$0x3FAC] =	sst s8  }
0x11: {  	[smem:$0x3FAD] =	sst s9;
	s0 =	simm.s32 @!p0 $0x0  }
0x12: {  	s1 =	sld [smem:$0x3F93];
	s0 =	simm.s32 @p0 $0x1  }
0x13: {  	[smem:$0x3FAE] =	sst s0;
	s0 =	simm.s32 @!p1 $0x0  }
0x14: {  	s2 =	sld [smem:$0x3F92];
	s0 =	simm.s32 @p1 $0x1  }
0x15: {  	[smem:$0x3FAF] =	sst s0;
	s0 =	simm.s32 @!p2 $0x0  }
0x16: {  	s3 =	sld [smem:$0x3FDB];
	s0 =	simm.s32 @p2 $0x1  }
0x17: {  	s4 =	simm.s32 $0x1BF5;
	[smem:$0x3FB1] =	sst s0  }
0x18: {  	s0 =	sld [smem:$0x3F94];
	_ =	swait.ge [sflag:s4], $0x0  }
0x19: {  	s7 =	sld [smem:$0x3F95]  }
0x1a: {  	s8 =	sadd.s32 $0xFFFFE003, lr  }
0x1b: {  	s9 =	sadd.s32 $0xFFFFFEF7, lr;
	s5 =	simm.s32 $0xFFFFFFFF;
	p2 =	slt.u32 s8, $0xFFFFF086  }
0x1c: {  	p1 =	slt.u32 s9, $0xF7A;
	s5 =	simm.s32 @!p2 $0x0  }
0x1d: {  	s5 =	simm.s32 @p1 $0x1;
	p0 =	seq.s32 s7, s2  }
0x1e: {  	s7 =	smul.u32 @!p0 $0xF7A, s2;
	p2 =	seq.s32 @!p0 s5, $0x0  }
0x1f: {  	s9 =	smul.u32 $0xF7A, s1;
	s8 =	simm.s32 @!p0 $0x1BF5;
	p2 =	por !p2, p0  }
0x20: {  	[sflag:s8] =	ssyncset.s32 @!p0 $0xFFFFF086;
	s6 =	sadd.s32 @!p0 s3, s7;
	s7 =	simm.s32 @!p0 $0x108  }
0x21: {  	s3 =	sadd.s32 s3, s9;
	s6 =	sadd.s32 @!p0 $0x88, s6;
	s7 =	simm.s32 @p2 $0x1082  }
0x22: {  	[simem:s7], [sflag:s8] =	dma.local @!p0 [hbm:s6], $0xF7A  }
0x23: {  	s9 =	sor.u32 $0xD0000000, s2;
	s6 =	simm.s32 $0x108;
	_ =	swait.ge @!p0 [sflag:s8], $0x0  }
0x24: {  	s3 =	sadd.s32 $0x88, s3;
	s6 =	simm.s32 @!p1 $0x1082;
	[sflag:s4] =	ssyncset.s32 $0xFFFFF086  }
0x25: {  	[simem:s6], [sflag:s4] =	dma.local [hbm:s3], $0xF7A  }
0x26: {  	[smem:$0x3F95] =	sst s1;
	(tag) =	ssettag s2;
	_ =	strace s9  }
0x27: {  	s1 =	sld [smem:$0x3FA5]  }
0x28: {  	s2 =	sld [smem:$0x3FA6]  }
0x29: {  	s4 =	sld [smem:$0x3FA8]  }
0x2a: {  	p0 =	seq.s32 s5, $0x0;
	s5 =	sld [smem:$0x3FA9]  }
0x2b: {  	s6 =	sld [smem:$0x3FAA]  }
0x2c: {  	s7 =	sld [smem:$0x3FAB]  }
0x2d: {  	s3 =	simm.s32 $0x108;
	s8 =	sld [smem:$0x3FAC]  }
0x2e: {  	s3 =	simm.s32 @!p0 $0x1082;
	s9 =	sld [smem:$0x3FAD]  }
0x2f: {  	lr =	sadd.s32 s0, s3;
	s0 =	sld [smem:$0x3FA4]  }
0x30: {  	s3 =	sld [smem:$0x3FA7]  }
0x31: {  	[smem:$0x3FB0] =	sst s10  }
0x32: {  	s10 =	sld [smem:$0x3FAE];
	_ =	sdelay $0x3  }
0x33: {  	p0 =	seq.s32 s10, $0x1;
	s10 =	sld [smem:$0x3FB0];
	_ =	sdelay $0x3  }
0x34: {  	[smem:$0x3FB0] =	sst s10  }
0x35: {  	s10 =	sld [smem:$0x3FAF];
	_ =	sdelay $0x3  }
0x36: {  	p1 =	seq.s32 s10, $0x1;
	s10 =	sld [smem:$0x3FB0];
	_ =	sdelay $0x3  }
0x37: {  	[smem:$0x3FB0] =	sst s10  }
0x38: {  	s10 =	sld [smem:$0x3FB1]  }
0x39: {  	_ = 	snop;
	(pc) =	sbr.ind lr, $3  }
0x3a: {  	_ = 	snop  }
0x3b: {  	_ = 	snop  }
0x3c: {  	p2 =	seq.s32 s10, $0x1;
	s10 =	sld [smem:$0x3FB0]  }
0x3d: {  	_ =	shalt  }
0x3e: {  	_ =	shalt  }
0x3f: {  	_ =	shalt  }
0x40: {  	_ =	shalt  }
0x41: {  	_ =	shalt  }
0x42: {  	_ =	shalt  }
0x43: {  	_ =	shalt  }
0x44: {  	_ =	shalt  }
0x45: {  	_ =	shalt  }
0x46: {  	_ =	shalt  }
0x47: {  	_ =	shalt  }
0x48: {  	_ =	shalt  }
0x49: {  	_ =	shalt  }
0x4a: {  	_ =	shalt  }
0x4b: {  	_ =	shalt  }
0x4c: {  	_ =	shalt  }
0x4d: {  	_ =	shalt  }
0x4e: {  	_ =	shalt  }
0x4f: {  	_ =	shalt  }
0x50: {  	_ =	shalt  }
0x51: {  	_ =	shalt  }
0x52: {  	_ =	shalt  }
0x53: {  	_ =	shalt  }
0x54: {  	_ =	shalt  }
0x55: {  	_ =	shalt  }
0x56: {  	_ =	shalt  }
0x57: {  	_ =	shalt  }
0x58: {  	_ =	shalt  }
0x59: {  	_ =	shalt  }
0x5a: {  	_ =	shalt  }
0x5b: {  	_ =	shalt  }
0x5c: {  	_ =	shalt  }
0x5d: {  	_ =	shalt  }
0x5e: {  	_ =	shalt  }
0x5f: {  	_ =	shalt  }
0x60: {  	_ =	shalt  }
0x61: {  	_ =	shalt  }
0x62: {  	_ =	shalt  }
0x63: {  	_ =	shalt  }
0x64: {  	_ =	shalt  }
0x65: {  	_ =	shalt  }
0x66: {  	_ =	shalt  }
0x67: {  	_ =	shalt  }
0x68: {  	_ =	shalt  }
0x69: {  	_ =	shalt  }
0x6a: {  	_ =	shalt  }
0x6b: {  	_ =	shalt  }
0x6c: {  	_ =	shalt  }
0x6d: {  	_ =	shalt  }
0x6e: {  	_ =	shalt  }
0x6f: {  	_ =	shalt  }
0x70: {  	_ =	shalt  }
0x71: {  	_ =	shalt  }
0x72: {  	_ =	shalt  }
0x73: {  	_ =	shalt  }
0x74: {  	_ =	shalt  }
0x75: {  	_ =	shalt  }
0x76: {  	_ =	shalt  }
0x77: {  	_ =	shalt  }
0x78: {  	_ =	shalt  }
0x79: {  	_ =	shalt  }
0x7a: {  	_ =	shalt  }
0x7b: {  	_ =	shalt  }
0x7c: {  	_ =	shalt  }
0x7d: {  	_ =	shalt  }
0x7e: {  	_ =	shalt  }
0x7f: {  	_ =	shalt  }
0x80: {  	_ =	shalt  }
0x81: {  	_ =	shalt  }
0x82: {  	_ =	shalt  }
0x83: {  	_ =	shalt  }
0x84: {  	_ =	shalt  }
0x85: {  	_ =	shalt  }
0x86: {  	_ =	shalt  }
0x87: {  	_ =	shalt  }
.Lfunc_end0:
.L_simem_size_0:
called_computation_lowered:
.L_overlay_start_0:
0x88: {  	s2 =	sld [smem:$0x3FD9]  }
0x89: {  	s3 =	sld [smem:$0x3FFE];
	_ =	sdelay $0x1  }
0x8a: {  	s1 =	srdreg.scid  }
0x8b: {  	s0 =	sand.u32 $0x1, s1  }
0x8c: {  	s17 =	sshll.u32 s0, $0xA;
	s2 =	sadd.s32 s3, s2  }
0x8d: {  	s2 =	sadd.s32 s2, s17  }
0x8e: {  	[smem:$0x3FBC] =	sst s2  }
0x8f: {  	_ = 	snop  }
0x90: {  	s2 =	sld [smem:$0x3FD0];
	(tm) =	ssettm $0x1  }
0x91: {  	s18 =	sld [smem:$0x3FFB];
	_ =	sdelay $0x3  }
0x92: {  	_ =	strace s18  }
0x93: {  	s3 =	sld [smem:$0x3FFC];
	_ =	sdelay $0x3  }
0x94: {  	_ =	strace s3  }
0x95: {  	s3 =	sld [smem:$0x3FFD];
	_ =	sdelay $0x3  }
0x96: {  	_ =	strace s3  }
0x97: {  	_ =	strace $0x8FFFFFFF  }
0x98: {  	s19 =	sld [smem:$0x3FDB];
	_ =	sdelay $0x1  }
0x99: {  	s4 =	simm.s32 $_scs_section_size  }
0x9a: {  	s5 =	simm.s32 $_size__tile_overlayer_lowered;
	s6 =	simm.s32 $_tile_overlayer_lowered  }
0x9b: {  	s22 =	simm.s32 $0x1BFF;
	s21 =	sshll.u32 s6, $0x1;
	s3 =	sadd.s32 s4, s19  }
0x9c: {  	s7 =	simm.s32 $0x0;
	s20 =	sshll.u32 s5, $0x1;
	s5 =	sadd.s32 s21, s3  }
0x9d: {  	[timem:s7], [sflag:s22] =	dma.local [hbm:s5], s20  }
0x9e: {  	_ =	swait.ge [sflag:s22], s20  }
0x9f: {  	s4 =	ssub.s32 $0x0, s20;
	[sflag:s22] =	ssyncset.done $0x0  }
0xa0: {  	[sflag:s22] =	ssyncadd.s32 s4;
	_ =	sdelay $0x1  }
0xa1: {  	s23 =	simm.s32 $0x1B8B  }
0xa2: {  	_ =	swait.ge [sflag:s23], $0x1  }
0xa3: {  	[sflag:s23] =	ssyncset.done $0x0  }
0xa4: {  	s25 =	simm.s32 $0x1B8E;
	s24 =	sld [smem:$0x3FFE];
	[sflag:s23] =	ssyncadd.s32 $0xFFFFFFFF  }
0xa5: {  	s26 =	simm.s32 $execute0_lowered;
	[smem:$0x3FD2] =	sst s25  }
0xa6: {  	s5 =	sshll.u32 s26, $0x1;
	_ =	strace $0x80000046;
	[dreg:$0x1] =	wrdreg $0xFFFFFFFF  }
0xa7: {  	s28 =	simm.s32 $_size_execute0_lowered;
	s3 =	sadd.s32 s3, s5;
	[dreg:$0x0] =	wrdreg $0x0  }
0xa8: {  	s5 =	sshll.u32 s28, $0x1;
	[dreg:$0x2] =	wrdreg s3  }
0xa9: {  	[dreg:$0x3] =	wrdreg s5  }
0xaa: {  	[dreg:$0x4] =	wrdreg $0xC0  }
0xab: {  	_ =	task [dreg:s7], $0x5FFFF  }
0xac: {  	[dreg:$0x1] =	wrdreg $0xFFFFFFFF  }
0xad: {  	[dreg:$0x0] =	wrdreg $0x60  }
0xae: {  	[dreg:$0x2] =	wrdreg s2  }
0xaf: {  	[dreg:$0x3] =	wrdreg s24  }
0xb0: {  	[dreg:$0x4] =	wrdreg $0x95000  }
0xb1: {  	[dreg:$0x5] =	wrdreg $0x135000  }
0xb2: {  	[dreg:$0x6] =	wrdreg $0x9  }
0xb3: {  	_ =	task.clear_ibuf [dreg:s7], $0x7FFFF;
	_ =	strace $0x90000046  }
0xb4: {  	s29 =	simm.s32 $0x9;
	_ =	strace $0x80000048  }
0xb5: {  	_ =	swait.ge [sflag:s29], $0x1  }
0xb6: {  	[sflag:s29] =	ssyncadd.s32 $0xFFFFFFFF  }
0xb7: {  	_ =	strace $0x90000048  }
0xb8: {  	_ =	sfence  }
0xb9: {  	s30 =	sld [smem:$0x0];
	_ =	sdelay $0x2  }
0xba: {  	s31 =	sshll.u32 s1, $0xD;
	s1 =	sshrl.u32 s1, $0x2  }
0xbb: {  	s3 =	sand.u32 $0x4000, s31;
	s1 =	sadd.s32 s1, s30  }
0xbc: {  	s0 =	sor.u32 s3, s0;
	s1 =	sshll.u32 s1, $0x11  }
0xbd: {  	s0 =	sor.u32 s1, s0  }
0xbe: {  	s0 =	sadd.s32 $0x8F2B, s0  }
0xbf: {  	[sflag:s0] =	ssyncadd.remote.s32 $0x1  }
0xc0: {  	_ =	sfence.sel $0xFFFF  }
0xc1: {  	[dreg:$0x0] =	wrdreg $0xFFFFFFFF;
	(pc) =	sbr.abs _section_cstart, $3  }
0xc2: {  	[dreg:$0x1] =	wrdreg $0xFFFFFFFF  }
0xc3: {  	_ =	task.clear_ibuf [dreg:s7], $0x2FFFF;
	_ =	strace $0x9FFFFFFF  }
0xc4: {  	(tm) =	ssettm $0x7FFFFFFF  }
0xc5: {  	_ =	shalt  }
tec
execute0_lowered:
.L_overlay_start_1:
0x0: {  	(tag) =	ssettag $0x1  }
0x1: {  	s3 =	rddreg [dreg:$0x0]  }
0x2: {  	s2 =	rddreg [dreg:$0x1]  }
0x3: {  	s0 =	rddreg [dreg:$0x2]  }
0x4: {  	s1 =	srdreg.scid;
	s20 =	stileid.u32  }
0x5: {  	s28 =	rddreg [dreg:$0x3];
	s9 =	sand.u32 $0x1, s1;
	s4 =	smul.u32 $0x280, s20  }
0x6: {  	s8 =	sadd.s32 $0x22000, s2;
	s11 =	sadd.s32 $0x4A000, s2;
	s1 =	ssub.s32 $0x2, s9  }
0x7: {  	s15 =	sshll.u32 s20, $0x1;
	s10 =	smul.u32 $0x2800, s9;
	s5 =	sshrl.u32 s1, $0x1  }
0x8: {  	s7 =	sadd.s32 $0x80, s4;
	s6 =	sadd.s32 $0x100, s4;
	s1 =	ssub.s32 s1, s5  }
0x9: {  	s5 =	sadd.s32 $0x180, s4;
	s12 =	sadd.s32 s4, s10;
	s4 =	sadd.s32 $0x200, s4  }
0xa: {  	s14 =	sadd.s32 s10, s7;
	s24 =	sadd.s32 s10, s6;
	s13 =	sshll.u32 s12, $0x3  }
0xb: {  	s23 =	sshll.u32 s14, $0x3;
	s16 =	sadd.s32 s10, s5;
	s17 =	sshll.u32 s24, $0x3  }
0xc: {  	s19 =	sadd.s32 s10, s4;
	s12 =	sshll.u32 s12, $0x1;
	s14 =	sshll.u32 s14, $0x1  }
0xd: {  	s1 =	smax.u32 s1, $0x1;
	s13 =	sadd.s32 s8, s13;
	s18 =	sshll.u32 s16, $0x3  }
0xe: {  	s17 =	sadd.s32 s8, s17;
	s26 =	sshll.u32 s19, $0x3;
	[dreg:$0xa] =	wrdreg s13  }
0xf: {  	s12 =	sadd.s32 s11, s12;
	s21 =	sshll.u32 s16, $0x1;
	[dreg:$0xc] =	wrdreg s17  }
0x10: {  	s22 =	sshll.u32 s19, $0x1;
	s13 =	sadd.s32 s8, s23;
	[dreg:$0xf] =	wrdreg s12  }
0x11: {  	s19 =	sadd.s32 $0x3C00, s2;
	s25 =	sadd.s32 s8, s18;
	[dreg:$0xb] =	wrdreg s13  }
0x12: {  	s8 =	sadd.s32 s8, s26;
	s18 =	sshll.u32 s24, $0x1;
	[dreg:$0xd] =	wrdreg s25  }
0x13: {  	[dreg:$0xe] =	wrdreg s8;
	s8 =	sor.u32 s9, s15;
	s15 =	sadd.s32 s11, s14  }
0x14: {  	s17 =	smul.u32 $0x5000, s20;
	s12 =	sadd.s32 s11, s18;
	[dreg:$0x10] =	wrdreg s15  }
0x15: {  	s23 =	smul.u32 $0xA00, s20;
	[dreg:$0x11] =	wrdreg s12;
	s12 =	sadd.s32 s11, s21  }
0x16: {  	s9 =	smul.u32 $0x50200, s9;
	s11 =	sadd.s32 s11, s22;
	[dreg:$0x12] =	wrdreg s12  }
0x17: {  	s15 =	simm.s32 $0x0;
	s26 =	smul.u32 $0x2800, s8;
	[dreg:$0x13] =	wrdreg s11  }
0x18: {  	s10 =	sadd.s32 s10, s17;
	s14 =	sshrl.u32 s17, $0x3;
	[smem:$0x7FF] =	sst s15  }
0x19: {  	s9 =	sadd.s32 s17, s9;
	s12 =	sadd.s32 $0x17E00, s2;
	s21 =	sor.u32 $0x180, s10  }
0x1a: {  	s10 =	sor.u32 $0x100, s10;
	_ =	strace $0x80000047;
	s24 =	sadd.s32 $0x300, s9  }
0x1b: {  	s11 =	sadd.s32 s23, s12;
	s18 =	sadd.s32 s12, s14;
	s16 =	sshrl.u32 s26, $0x3  }
0x1c: {  	[dreg:$0x16] =	wrdreg s21;
	s22 =	sshrl.u32 s21, $0x3;
	s10 =	sshrl.u32 s10, $0x3  }
0x1d: {  	s23 =	sadd.s32 $0x280, s9;
	s21 =	sshll.u32 s6, $0x6;
	[smem:$0x7F5] =	sst s1  }
0x1e: {  	s13 =	sshrl.u32 s24, $0x3;
	[dreg:$0x5] =	wrdreg s11;
	s11 =	sadd.s32 s12, s16  }
0x1f: {  	s24 =	smul.u32 $0x28000, s20;
	s10 =	sadd.s32 s10, s12;
	[dreg:$0x14] =	wrdreg s18  }
0x20: {  	s25 =	sadd.s32 s13, s19;
	s13 =	sor.u32 $0x80, s26;
	[dreg:$0x15] =	wrdreg s11  }
0x21: {  	s26 =	smul.u32 $0xA000, s20;
	[dreg:$0x19] =	wrdreg s10;
	s20 =	sshll.u32 s7, $0x6  }
0x22: {  	s7 =	sshll.u32 s7, $0x4;
	s10 =	smul.u32 $0x5000, s8;
	[dreg:$0x6] =	wrdreg s25  }
0x23: {  	s17 =	sshrl.u32 s13, $0x3;
	s31 =	sadd.s32 s20, s0;
	s20 =	sadd.s32 $0x200, s9  }
0x24: {  	s25 =	sadd.s32 $0x380, s9;
	s14 =	sshrl.u32 s24, $0x2;
	[smem:$0x7F6] =	sst s20  }
0x25: {  	s24 =	sshll.u32 s6, $0x4;
	s11 =	sadd.s32 s12, s17;
	[dreg:$0x1c] =	wrdreg s31  }
0x26: {  	s17 =	sadd.s32 $0x4E5C00, s2;
	s2 =	sadd.s32 s24, s28;
	[dreg:$0x17] =	wrdreg s11  }
0x27: {  	s6 =	sshll.u32 s4, $0x6;
	s24 =	sadd.s32 $0x20, s18;
	[dreg:$0x1f] =	wrdreg s2  }
0x28: {  	s4 =	sshll.u32 s4, $0x4;
	s29 =	sadd.s32 s14, s0;
	[smem:$0x7FA] =	sst s24  }
0x29: {  	s16 =	sshrl.u32 s25, $0x3;
	s11 =	sadd.s32 s22, s12;
	[dreg:$0x1a] =	wrdreg s29  }
0x2a: {  	s25 =	sshll.u32 s5, $0x6;
	s12 =	sadd.s32 s16, s19;
	[dreg:$0x18] =	wrdreg s11  }
0x2b: {  	s5 =	sshll.u32 s5, $0x4;
	s22 =	sadd.s32 s7, s28;
	[dreg:$0x8] =	wrdreg s12  }
0x2c: {  	s16 =	sshrl.u32 s26, $0x2;
	s26 =	sadd.s32 s25, s0;
	[dreg:$0x1d] =	wrdreg s22  }
0x2d: {  	s20 =	simm.s32 $0x200;
	s5 =	sadd.s32 s5, s28;
	[smem:$0x7EF] =	sst s26  }
0x2e: {  	s7 =	smov.u32 s19;
	s2 =	sadd.s32 s6, s0;
	[smem:$0x7F0] =	sst s5  }
0x2f: {  	s6 =	simm.s32 $0x3;
	s11 =	sshrl.u32 s23, $0x3;
	[smem:$0x7F1] =	sst s2  }
0x30: {  	s30 =	sadd.s32 s16, s28;
	s23 =	sadd.s32 s21, s0;
	[dreg:$0x9] =	wrdreg s7  }
0x31: {  	s12 =	sshrl.u32 s9, $0x3;
	s16 =	sadd.s32 s17, s10;
	[dreg:$0x1e] =	wrdreg s23  }
0x32: {  	s22 =	sadd.s32 $0x10, s18;
	s26 =	sadd.s32 $0x30, s18;
	[smem:$0x7F3] =	sst s16  }
0x33: {  	s18 =	simm.s32 $0x280;
	s9 =	simm.s32 $0x380;
	[smem:$0x7F8] =	sst s22  }
0x34: {  	s10 =	simm.s32 $0x14;
	s0 =	simm.s32 $0x0;
	[smem:$0x7FD] =	sst s26  }
0x35: {  	s11 =	sadd.s32 s11, s19;
	s14 =	sadd.s32 s19, s12;
	[dreg:$0x1b] =	wrdreg s30  }
0x36: {  	s19 =	sshll.u32 s13, $0x1;
	s26 =	simm.s32 $0x8500;
	[dreg:$0x7] =	wrdreg s11  }
0x37: {  	s12 =	simm.s32 $0x80;
	s11 =	sadd.s32 s4, s28;
	[smem:$0x7FB] =	sst s14  }
0x38: {  	s16 =	simm.s32 $0x100;
	s2 =	sadd.s32 s17, s19;
	[smem:$0x7F2] =	sst s11  }
0x39: {  	s13 =	simm.s32 $0x300;
	s21 =	sadd.s32 $0x10, s14;
	[smem:$0x7F4] =	sst s2  }
0x3a: {  	s23 =	sadd.s32 $0x20, s14;
	s25 =	sadd.s32 $0x30, s14;
	[smem:$0x7F7] =	sst s21  }
0x3b: {  	s14 =	simm.s32 $0x8480;
	s19 =	simm.s32 $0x2400;
	[smem:$0x7F9] =	sst s23  }
0x3c: {  	s4 =	simm.s32 $0x9;
	[smem:$0x7FC] =	sst s25;
	s2 =	simm.s32 $0x400  }
0x3d: {  	v0 =	vimm.f32 $0.0e+00;
	s11 =	simm.s32 $0x180;
	s23 =	simm.s32 $0x4400;
	s21 =	simm.s32 $0x4  }
.LBB2_1:
0x3e: {  	s22 =	simm.s32 $0x420  }
0x3f: {  	[tilespmem:s22+$0x0] =	vst v0  }
0x40: {  	[tilespmem:s22+$0xFFFFFFE0] =	vst v0  }
0x41: {  	[smem:$0x7EE] =	sst s0;
	[tilespmem:s22+$0x10] =	vst v0  }
0x42: {  	s8 =	smov.u32 s17;
	s24 =	simm.s32 $0x40;
	s25 =	simm.s32 $0x0;
	[tilespmem:s22+$0xFFFFFFF0] =	vst v0  }
.LBB2_2:
0x43: {  	p0 =	sne.s32 s24, $0x1FC0  }
0x44: {  	[tilespmem:s25+$0x8500] =	vst v0;
	s22 =	sadd.s32 $0x40, s22;
	s25 =	smov.u32 s24;
	s24 =	sadd.s32 $0x40, s24  }
.Ltmp0:
0x45: {  	[tilespmem:s22+$0x0] =	vst v0;
	(pc) =	sbr.rel @p0 .LBB2_2-.Ltmp0, $4  }
0x46: {  	_ = 	snop  }
0x47: {  	[tilespmem:s22+$0xFFFFFFE0] =	vst v0  }
0x48: {  	[tilespmem:s22+$0x10] =	vst v0  }
0x49: {  	s25 =	sshra.s32 s25, $0x2;
	[tilespmem:s22+$0xFFFFFFF0] =	vst v0  }
0x4a: {  	[tilespmem:s25+$0x8500] =	vst v0;
	s5 =	simm.s32 $0x17  }
0x4b: {  	[spmem:s29] =	stream.linear.scatter [tilespmem:s2], [sflag:$0x17], $0x2000, $0x38;
	[tilespmem:$0x15D00] =	vst v63  }
0x4c: {  	_ =	swait.ge [sflag:s5], $0x2000  }
0x4d: {  	[sflag:s5] =	ssyncset.done $0x0  }
0x4e: {  	[sflag:s5] =	ssyncadd.s32 $0xFFFFE000  }
0x4f: {  	[spmem:s30] =	stream.linear.scatter [tilespmem:s26], [sflag:$0x17], $0x800, $0x38;
	[tilespmem:$0x15D00] =	vst v63  }
0x50: {  	_ =	swait.ge [sflag:s5], $0x800  }
0x51: {  	[sflag:s5] =	ssyncset.done $0x0  }
0x52: {  	[sflag:s5] =	ssyncadd.s32 $0xFFFFF800  }
0x53: {  	[spmem:s31] =	stream.linear.scatter [tilespmem:s2], [sflag:$0x17], $0x2000, $0x38;
	[tilespmem:$0x15D00] =	vst v63  }
0x54: {  	_ =	swait.ge [sflag:s5], $0x2000  }
0x55: {  	[sflag:s5] =	ssyncset.done $0x0  }
0x56: {  	s1 =	rddreg [dreg:$0x1d];
	[sflag:s5] =	ssyncadd.s32 $0xFFFFE000  }
0x57: {  	[spmem:s1] =	stream.linear.scatter [tilespmem:s26], [sflag:$0x17], $0x800, $0x38;
	[tilespmem:$0x15D00] =	vst v63  }
0x58: {  	_ =	swait.ge [sflag:s5], $0x800  }
0x59: {  	[sflag:s5] =	ssyncset.done $0x0  }
0x5a: {  	s24 =	rddreg [dreg:$0x1e];
	[sflag:s5] =	ssyncadd.s32 $0xFFFFF800  }
0x5b: {  	[spmem:s24] =	stream.linear.scatter [tilespmem:s2], [sflag:$0x17], $0x2000, $0x38;
	[tilespmem:$0x15D00] =	vst v63  }
0x5c: {  	_ =	swait.ge [sflag:s5], $0x2000  }
0x5d: {  	[sflag:s5] =	ssyncset.done $0x0  }
0x5e: {  	s25 =	rddreg [dreg:$0x1f];
	[sflag:s5] =	ssyncadd.s32 $0xFFFFE000  }
0x5f: {  	[spmem:s25] =	stream.linear.scatter [tilespmem:s26], [sflag:$0x17], $0x800, $0x38;
	[tilespmem:$0x15D00] =	vst v63  }
0x60: {  	_ =	swait.ge [sflag:s5], $0x800  }
0x61: {  	s0 =	sld [smem:$0x7EF]  }
0x62: {  	[sflag:s5] =	ssyncset.done $0x0  }
0x63: {  	[sflag:s5] =	ssyncadd.s32 $0xFFFFF800  }
0x64: {  	[spmem:s0] =	stream.linear.scatter [tilespmem:s2], [sflag:$0x17], $0x2000, $0x38;
	[tilespmem:$0x15D00] =	vst v63  }
0x65: {  	_ =	swait.ge [sflag:s5], $0x2000  }
0x66: {  	s17 =	sld [smem:$0x7F0]  }
0x67: {  	[sflag:s5] =	ssyncset.done $0x0  }
0x68: {  	[sflag:s5] =	ssyncadd.s32 $0xFFFFE000  }
0x69: {  	[spmem:s17] =	stream.linear.scatter [tilespmem:s26], [sflag:$0x17], $0x800, $0x38;
	[tilespmem:$0x15D00] =	vst v63  }
0x6a: {  	_ =	swait.ge [sflag:s5], $0x800  }
0x6b: {  	s22 =	sld [smem:$0x7F1]  }
0x6c: {  	[sflag:s5] =	ssyncset.done $0x0  }
0x6d: {  	[sflag:s5] =	ssyncadd.s32 $0xFFFFF800  }
0x6e: {  	[spmem:s22] =	stream.linear.scatter [tilespmem:s2], [sflag:$0x17], $0x2000, $0x38;
	[tilespmem:$0x15D00] =	vst v63  }
0x6f: {  	_ =	swait.ge [sflag:s5], $0x2000  }
0x70: {  	s24 =	sld [smem:$0x7F2]  }
0x71: {  	[sflag:s5] =	ssyncset.done $0x0  }
0x72: {  	[sflag:s5] =	ssyncadd.s32 $0xFFFFE000  }
0x73: {  	[spmem:s24] =	stream.linear.scatter [tilespmem:s26], [sflag:$0x17], $0x800, $0x38;
	[tilespmem:$0x15D00] =	vst v63  }
0x74: {  	_ =	swait.ge [sflag:s5], $0x800  }
0x75: {  	[sflag:s5] =	ssyncset.done $0x0  }
0x76: {  	[sflag:s5] =	ssyncadd.s32 $0xFFFFF800  }
0x77: {  	[bflag:$0x0] =	sbarrier.arrive $0xFFFF  }
0x78: {  	s25 =	sld [smem:$0x7FB];
	_ =	sdelay $0x1  }
0x79: {  	s22 =	simm.s32 $0x0;
	s0 =	rddreg [dreg:$0x14]  }
0x7a: {  	[tilespmem:s22], [sflag:$0x1] =	stream.linear.gather [hbm4b:s25+s22], $0x80, $0x38;
	[tilespmem:$0x15D00] =	vst v63  }
0x7b: {  	s5 =	sld [smem:$0x7F7]  }
0x7c: {  	[tilespmem:s20], [sflag:$0x5] =	stream.linear.gather [hbm4b:s0+s22], $0x80, $0x38;
	[tilespmem:$0x15D00] =	vst v63  }
0x7d: {  	s17 =	sld [smem:$0x7F8]  }
0x7e: {  	[tilespmem:s12], [sflag:$0x2] =	stream.linear.gather [hbm4b:s5+s22], $0x80, $0x38;
	[tilespmem:$0x15D00] =	vst v63  }
0x7f: {  	s24 =	sld [smem:$0x7F9]  }
0x80: {  	[tilespmem:s18], [sflag:$0x6] =	stream.linear.gather [hbm4b:s17+s22], $0x80, $0x38;
	[tilespmem:$0x15D00] =	vst v63  }
0x81: {  	s25 =	sld [smem:$0x7FA]  }
0x82: {  	[tilespmem:s16], [sflag:$0x3] =	stream.linear.gather [hbm4b:s24+s22], $0x80, $0x38;
	[tilespmem:$0x15D00] =	vst v63  }
0x83: {  	s0 =	sld [smem:$0x7FC]  }
0x84: {  	[tilespmem:s13], [sflag:$0x7] =	stream.linear.gather [hbm4b:s25+s22], $0x80, $0x38;
	[tilespmem:$0x15D00] =	vst v63  }
0x85: {  	s5 =	sld [smem:$0x7FD]  }
0x86: {  	[tilespmem:s11], [sflag:$0x4] =	stream.linear.gather [hbm4b:s0+s22], $0x80, $0x38;
	[tilespmem:$0x15D00] =	vst v63  }
0x87: {  	s17 =	rddreg [dreg:$0x15]  }
0x88: {  	[tilespmem:s9], [sflag:$0x8] =	stream.linear.gather [hbm4b:s5+s22], $0x80, $0x38;
	[tilespmem:$0x15D00] =	vst v63  }
0x89: {  	s30 =	simm.s32 $0x8400;
	s24 =	sld [smem:$0x7F3]  }
0x8a: {  	[tilespmem:s30], [sflag:$0x11] =	stream.linear.gather [hbm4b:s17+s22], $0x80, $0x38;
	[tilespmem:$0x15D00] =	vst v63  }
0x8b: {  	s25 =	rddreg [dreg:$0x17]  }
0x8c: {  	[tilespmem:s26], [sflag:$0x13] =	stream.linear.gather [hbm4b:s24+s22], $0x800, $0x38;
	[tilespmem:$0x15D00] =	vst v63  }
0x8d: {  	s0 =	sld [smem:$0x7F4]  }
0x8e: {  	[tilespmem:s14], [sflag:$0x12] =	stream.linear.gather [hbm4b:s25+s22], $0x80, $0x38;
	[tilespmem:$0x15D00] =	vst v63  }
0x8f: {  	s5 =	simm.s32 $0x8D00  }
0x90: {  	[tilespmem:s5], [sflag:$0x14] =	stream.linear.gather [hbm4b:s0+s22], $0x800, $0x38;
	[tilespmem:$0x15D00] =	vst v63  }
0x91: {  	s0 =	simm.s32 $0x1  }
0x92: {  	_ =	swait.ge [sflag:s0], $0x80  }
0x93: {  	[sflag:s0] =	ssyncset.done $0x0  }
0x94: {  	s17 =	simm.s32 $0x2;
	[sflag:s0] =	ssyncadd.s32 $0xFFFFFF80  }
0x95: {  	[tilespmem:s2], [sflag:$0x9] =	stream.indirect.gather [hbm4b:s3+s12], $0x40, s15, s12, $0xb8;
	[tilespmem:$0x15D00] =	vst v63  }
0x96: {  	_ =	swait.ge [sflag:s17], $0x80  }
0x97: {  	[sflag:s17] =	ssyncset.done $0x0  }
0x98: {  	[sflag:s17] =	ssyncadd.s32 $0xFFFFFF80  }
0x99: {  	[tilespmem:s19], [sflag:$0xA] =	stream.indirect.gather [hbm4b:s3+s12], $0x40, s12, s12, $0xb8;
	[tilespmem:$0x15D00] =	vst v63  }
0x9a: {  	_ =	swait.ge [sflag:s6], $0x80  }
0x9b: {  	[sflag:s6] =	ssyncset.done $0x0  }
0x9c: {  	[sflag:s6] =	ssyncadd.s32 $0xFFFFFF80  }
0x9d: {  	[tilespmem:s23], [sflag:$0xB] =	stream.indirect.gather [hbm4b:s3+s12], $0x40, s16, s12, $0xb8;
	[tilespmem:$0x15D00] =	vst v63  }
0x9e: {  	_ =	swait.ge [sflag:s21], $0x80  }
0x9f: {  	[sflag:s21] =	ssyncset.done $0x0  }
0xa0: {  	s24 =	simm.s32 $0x11;
	s22 =	simm.s32 $0x6400;
	[sflag:s21] =	ssyncadd.s32 $0xFFFFFF80  }
0xa1: {  	[tilespmem:s22], [sflag:$0xC] =	stream.indirect.gather [hbm4b:s3+s12], $0x40, s11, s12, $0xb8;
	[tilespmem:$0x15D00] =	vst v63  }
0xa2: {  	_ =	swait.ge [sflag:s24], $0x80  }
0xa3: {  	[sflag:s24] =	ssyncset.done $0x0  }
0xa4: {  	s25 =	simm.s32 $0x13;
	[sflag:s24] =	ssyncadd.s32 $0xFFFFFF80  }
0xa5: {  	_ =	swait.ge [sflag:s25], $0x800  }
0xa6: {  	[sflag:s25] =	ssyncset.done $0x0  }
0xa7: {  	[sflag:s25] =	ssyncadd.s32 $0xFFFFF800  }
0xa8: {  	[spmem:s28] =	stream.indirect.scatter.add.f32 [tilespmem:s26], [sflag:$0x15], $0x10, s30, s12, $0xb8;
	[tilespmem:$0x15D00] =	vst v63  }
0xa9: {  	s26 =	simm.s32 $0x12  }
0xaa: {  	_ =	swait.ge [sflag:s26], $0x80  }
0xab: {  	[sflag:s26] =	ssyncset.done $0x0  }
0xac: {  	[sflag:s26] =	ssyncadd.s32 $0xFFFFFF80  }
0xad: {  	_ =	swait.ge [sflag:s10], $0x800  }
0xae: {  	[sflag:s10] =	ssyncset.done $0x0  }
0xaf: {  	[sflag:s10] =	ssyncadd.s32 $0xFFFFF800  }
0xb0: {  	[spmem:s28] =	stream.indirect.scatter.add.f32 [tilespmem:s5], [sflag:$0x16], $0x10, s14, s12, $0xb8;
	[tilespmem:$0x15D00] =	vst v63  }
0xb1: {  	_ =	swait.ge [sflag:s4], $0x2000  }
0xb2: {  	[sflag:s4] =	ssyncset.done $0x0  }
0xb3: {  	[sflag:s4] =	ssyncadd.s32 $0xFFFFE000;
	s4 =	simm.s32 $0x5  }
0xb4: {  	_ =	swait.ge [sflag:s4], $0x80  }
0xb5: {  	[sflag:s4] =	ssyncset.done $0x0  }
0xb6: {  	[sflag:s4] =	ssyncadd.s32 $0xFFFFFF80  }
0xb7: {  	s5 =	simm.s32 $0xA;
	s10 =	rddreg [dreg:$0x2]  }
0xb8: {  	[spmem:s10] =	stream.indirect.scatter.add.f32 [tilespmem:s2], [sflag:$0xD], $0x40, s20, s12, $0xb8;
	[tilespmem:$0x15D00] =	vst v63  }
0xb9: {  	_ =	swait.ge [sflag:s5], $0x2000  }
0xba: {  	[sflag:s5] =	ssyncset.done $0x0  }
0xbb: {  	s6 =	simm.s32 $0x6;
	[sflag:s5] =	ssyncadd.s32 $0xFFFFE000  }
0xbc: {  	_ =	swait.ge [sflag:s6], $0x80  }
0xbd: {  	[sflag:s6] =	ssyncset.done $0x0  }
0xbe: {  	s14 =	simm.s32 $0xB;
	[sflag:s6] =	ssyncadd.s32 $0xFFFFFF80  }
0xbf: {  	[spmem:s10] =	stream.indirect.scatter.add.f32 [tilespmem:s19], [sflag:$0xE], $0x40, s18, s12, $0xb8;
	[tilespmem:$0x15D00] =	vst v63  }
0xc0: {  	_ =	swait.ge [sflag:s14], $0x2000  }
0xc1: {  	[sflag:s14] =	ssyncset.done $0x0  }
0xc2: {  	s17 =	simm.s32 $0x7;
	[sflag:s14] =	ssyncadd.s32 $0xFFFFE000  }
0xc3: {  	_ =	swait.ge [sflag:s17], $0x80  }
0xc4: {  	[sflag:s17] =	ssyncset.done $0x0  }
0xc5: {  	s19 =	simm.s32 $0xC;
	[sflag:s17] =	ssyncadd.s32 $0xFFFFFF80  }
0xc6: {  	[spmem:s10] =	stream.indirect.scatter.add.f32 [tilespmem:s23], [sflag:$0xF], $0x40, s13, s12, $0xb8;
	[tilespmem:$0x15D00] =	vst v63  }
0xc7: {  	_ =	swait.ge [sflag:s19], $0x2000  }
0xc8: {  	[sflag:s19] =	ssyncset.done $0x0  }
0xc9: {  	s21 =	simm.s32 $0x8;
	[sflag:s19] =	ssyncadd.s32 $0xFFFFE000  }
0xca: {  	_ =	swait.ge [sflag:s21], $0x80  }
0xcb: {  	[sflag:s21] =	ssyncset.done $0x0  }
0xcc: {  	[sflag:s21] =	ssyncadd.s32 $0xFFFFFF80  }
0xcd: {  	[spmem:s10] =	stream.indirect.scatter.add.f32 [tilespmem:s22], [sflag:$0x10], $0x40, s9, s12, $0xb8;
	[tilespmem:$0x15D00] =	vst v63  }
0xce: {  	s22 =	simm.s32 $0xD  }
0xcf: {  	_ =	swait.ge [sflag:s22], $0x2000  }
0xd0: {  	s25 =	sld [smem:$0x7F6];
	_ =	sdelay $0x2  }
0xd1: {  	[sflag:s22] =	ssyncset.done $0x0;
	s24 =	rddreg [dreg:$0x5];
	s23 =	sshrl.u32 s25, $0x3  }
0xd2: {  	[sflag:s22] =	ssyncadd.s32 $0xFFFFE000;
	s26 =	sadd.s32 $0x0, s24;
	s22 =	sadd.s32 s7, s23  }
0xd3: {  	[tilespmem:s15], [sflag:$0x1] =	stream.linear.gather [hbm4b:s22+s15], $0x80, $0x38;
	[tilespmem:$0x15D00] =	vst v63  }
0xd4: {  	s1 =	simm.s32 $0xE;
	s24 =	sadd.s32 $0x40, s26  }
0xd5: {  	[tilespmem:s20], [sflag:$0x5] =	stream.linear.gather [hbm4b:s24+s15], $0x80, $0x38;
	[tilespmem:$0x15D00] =	vst v63  }
0xd6: {  	_ =	swait.ge [sflag:s1], $0x2000  }
0xd7: {  	s2 =	rddreg [dreg:$0x7];
	[sflag:s1] =	ssyncset.done $0x0  }
0xd8: {  	[sflag:s1] =	ssyncadd.s32 $0xFFFFE000;
	s24 =	sadd.s32 $0x0, s2  }
0xd9: {  	[tilespmem:s12], [sflag:$0x2] =	stream.linear.gather [hbm4b:s24+s15], $0x80, $0x38;
	[tilespmem:$0x15D00] =	vst v63  }
0xda: {  	s0 =	simm.s32 $0xF;
	s4 =	sadd.s32 $0x50, s26  }
0xdb: {  	[tilespmem:s18], [sflag:$0x6] =	stream.linear.gather [hbm4b:s4+s15], $0x80, $0x38;
	[tilespmem:$0x15D00] =	vst v63  }
0xdc: {  	_ =	swait.ge [sflag:s0], $0x2000  }
0xdd: {  	s5 =	rddreg [dreg:$0x6];
	[sflag:s0] =	ssyncset.done $0x0  }
0xde: {  	[sflag:s0] =	ssyncadd.s32 $0xFFFFE000;
	s24 =	sadd.s32 $0x0, s5  }
0xdf: {  	[tilespmem:s16], [sflag:$0x3] =	stream.linear.gather [hbm4b:s24+s15], $0x80, $0x38;
	[tilespmem:$0x15D00] =	vst v63  }
0xe0: {  	s17 =	simm.s32 $0x10;
	s6 =	sadd.s32 $0x60, s26  }
0xe1: {  	[tilespmem:s13], [sflag:$0x7] =	stream.linear.gather [hbm4b:s6+s15], $0x80, $0x38;
	[tilespmem:$0x15D00] =	vst v63  }
0xe2: {  	_ =	swait.ge [sflag:s17], $0x2000  }
0xe3: {  	s14 =	simm.s32 $0x8480;
	s7 =	rddreg [dreg:$0x8];
	[sflag:s17] =	ssyncset.done $0x0  }
0xe4: {  	s19 =	simm.s32 $0x4;
	[sflag:s17] =	ssyncadd.s32 $0xFFFFE000;
	s24 =	sadd.s32 $0x0, s7  }
0xe5: {  	[tilespmem:s11], [sflag:$0x4] =	stream.linear.gather [hbm4b:s24+s15], $0x80, $0x38;
	[tilespmem:$0x15D00] =	vst v63  }
0xe6: {  	s23 =	simm.s32 $0x16;
	s22 =	sadd.s32 $0x70, s26;
	s11 =	rddreg [dreg:$0x16]  }
0xe7: {  	s26 =	sadd.s32 $0x200, s25;
	s18 =	simm.s32 $0x15;
	s24 =	sadd.s32 $0xFFFFFF80, s11  }
0xe8: {  	[tilespmem:s9], [sflag:$0x8] =	stream.linear.gather [hbm4b:s22+s15], $0x80, $0x38;
	[tilespmem:$0x15D00] =	vst v63  }
0xe9: {  	s20 =	simm.s32 $0x8500;
	p0 =	slt.s32 s24, $0x4E180;
	_ =	swait.ge [sflag:s18], $0x800  }
0xea: {  	s6 =	simm.s32 $0x3;
	s24 =	simm.s32 @!p0 $0x4E180;
	[sflag:s18] =	ssyncset.done $0x0  }
0xeb: {  	s13 =	sshll.u32 s24, $0x1;
	s21 =	rddreg [dreg:$0x19];
	[sflag:s18] =	ssyncadd.s32 $0xFFFFF800  }
0xec: {  	[tilespmem:s30], [sflag:$0x11] =	stream.linear.gather [hbm4b:s21+s15], $0x80, $0x38;
	[tilespmem:$0x15D00] =	vst v63  }
0xed: {  	p0 =	slt.s32 s11, $0x4E180;
	s24 =	smov.u32 s11;
	s22 =	sadd.s32 s8, s13  }
0xee: {  	[tilespmem:s20], [sflag:$0x13] =	stream.linear.gather [hbm4b:s22+s15], $0x800, $0x38;
	[tilespmem:$0x15D00] =	vst v63  }
0xef: {  	s24 =	simm.s32 @!p0 $0x4E180;
	s29 =	sadd.s32 $0x20, s21;
	_ =	swait.ge [sflag:s23], $0x800  }
0xf0: {  	s25 =	sshll.u32 s24, $0x1;
	s24 =	smov.u32 s11;
	[sflag:s23] =	ssyncset.done $0x0  }
0xf1: {  	s22 =	simm.s32 $0x40;
	s31 =	rddreg [dreg:$0x18];
	[sflag:s23] =	ssyncadd.s32 $0xFFFFF800  }
0xf2: {  	[tilespmem:s14], [sflag:$0x12] =	stream.linear.gather [hbm4b:s31+s15], $0x80, $0x38;
	[tilespmem:$0x15D00] =	vst v63  }
.LBB2_4:
0xf3: {  	s25 =	sadd.s32 s8, s25;
	s14 =	simm.s32 $0x8D00;
	s1 =	simm.s32 $0x1  }
0xf4: {  	[tilespmem:s14], [sflag:$0x14] =	stream.linear.gather [hbm4b:s25+s15], $0x800, $0x38;
	[tilespmem:$0x15D00] =	vst v63  }
0xf5: {  	_ =	swait.ge [sflag:s1], $0x80  }
0xf6: {  	[sflag:s1] =	ssyncset.done $0x0  }
0xf7: {  	s2 =	simm.s32 $0x400;
	s13 =	simm.s32 $0x2;
	[sflag:s1] =	ssyncadd.s32 $0xFFFFFF80  }
0xf8: {  	[tilespmem:s2], [sflag:$0x9] =	stream.indirect.gather [hbm4b:s3+s12], $0x40, s15, s12, $0xb8;
	[tilespmem:$0x15D00] =	vst v63  }
0xf9: {  	_ =	swait.ge [sflag:s13], $0x80  }
0xfa: {  	[sflag:s13] =	ssyncset.done $0x0  }
0xfb: {  	[sflag:s13] =	ssyncadd.s32 $0xFFFFFF80;
	s13 =	simm.s32 $0x2400  }
0xfc: {  	[tilespmem:s13], [sflag:$0xA] =	stream.indirect.gather [hbm4b:s3+s12], $0x40, s12, s12, $0xb8;
	[tilespmem:$0x15D00] =	vst v63  }
0xfd: {  	_ =	swait.ge [sflag:s6], $0x80  }
0xfe: {  	[sflag:s6] =	ssyncset.done $0x0  }
0xff: {  	s11 =	simm.s32 $0x100;
	s5 =	simm.s32 $0x4400;
	[sflag:s6] =	ssyncadd.s32 $0xFFFFFF80  }
0x100: {  	[tilespmem:s5], [sflag:$0xB] =	stream.indirect.gather [hbm4b:s3+s12], $0x40, s11, s12, $0xb8;
	[tilespmem:$0x15D00] =	vst v63  }
0x101: {  	_ =	swait.ge [sflag:s19], $0x80  }
0x102: {  	s21 =	simm.s32 $0x6400;
	[sflag:s19] =	ssyncset.done $0x0  }
0x103: {  	s20 =	simm.s32 $0x180;
	s16 =	simm.s32 $0x11;
	[sflag:s19] =	ssyncadd.s32 $0xFFFFFF80  }
0x104: {  	[tilespmem:s21], [sflag:$0xC] =	stream.indirect.gather [hbm4b:s3+s12], $0x40, s20, s12, $0xb8;
	[tilespmem:$0x15D00] =	vst v63  }
0x105: {  	_ =	swait.ge [sflag:s16], $0x80  }
0x106: {  	[sflag:s16] =	ssyncset.done $0x0  }
0x107: {  	s4 =	simm.s32 $0x13;
	[sflag:s16] =	ssyncadd.s32 $0xFFFFFF80  }
0x108: {  	_ =	swait.ge [sflag:s4], $0x800  }
0x109: {  	[sflag:s4] =	ssyncset.done $0x0  }
0x10a: {  	s7 =	simm.s32 $0x12;
	s16 =	simm.s32 $0x8500;
	[sflag:s4] =	ssyncadd.s32 $0xFFFFF800  }
0x10b: {  	[spmem:s28] =	stream.indirect.scatter.add.f32 [tilespmem:s16], [sflag:$0x15], $0x10, s30, s12, $0xb8;
	[tilespmem:$0x15D00] =	vst v63  }
0x10c: {  	_ =	swait.ge [sflag:s7], $0x80  }
0x10d: {  	[sflag:s7] =	ssyncset.done $0x0  }
0x10e: {  	s9 =	simm.s32 $0x14;
	[sflag:s7] =	ssyncadd.s32 $0xFFFFFF80  }
0x10f: {  	_ =	swait.ge [sflag:s9], $0x800  }
0x110: {  	[sflag:s9] =	ssyncset.done $0x0  }
0x111: {  	s4 =	simm.s32 $0x9;
	[sflag:s9] =	ssyncadd.s32 $0xFFFFF800;
	s9 =	simm.s32 $0x8480  }
0x112: {  	[spmem:s28] =	stream.indirect.scatter.add.f32 [tilespmem:s14], [sflag:$0x16], $0x10, s9, s12, $0xb8;
	[tilespmem:$0x15D00] =	vst v63  }
0x113: {  	_ =	swait.ge [sflag:s4], $0x2000  }
0x114: {  	[sflag:s4] =	ssyncset.done $0x0  }
0x115: {  	s14 =	simm.s32 $0x5;
	[sflag:s4] =	ssyncadd.s32 $0xFFFFE000  }
0x116: {  	_ =	swait.ge [sflag:s14], $0x80  }
0x117: {  	[sflag:s14] =	ssyncset.done $0x0  }
0x118: {  	[sflag:s14] =	ssyncadd.s32 $0xFFFFFF80;
	s14 =	simm.s32 $0x200  }
0x119: {  	[spmem:s10] =	stream.indirect.scatter.add.f32 [tilespmem:s2], [sflag:$0xD], $0x40, s14, s12, $0xb8;
	[tilespmem:$0x15D00] =	vst v63  }
0x11a: {  	s2 =	simm.s32 $0xA  }
0x11b: {  	_ =	swait.ge [sflag:s2], $0x2000  }
0x11c: {  	[sflag:s2] =	ssyncset.done $0x0  }
0x11d: {  	s4 =	simm.s32 $0x6;
	[sflag:s2] =	ssyncadd.s32 $0xFFFFE000  }
0x11e: {  	_ =	swait.ge [sflag:s4], $0x80  }
0x11f: {  	[sflag:s4] =	ssyncset.done $0x0  }
0x120: {  	s2 =	simm.s32 $0xB;
	[sflag:s4] =	ssyncadd.s32 $0xFFFFFF80;
	s4 =	simm.s32 $0x280  }
0x121: {  	[spmem:s10] =	stream.indirect.scatter.add.f32 [tilespmem:s13], [sflag:$0xE], $0x40, s4, s12, $0xb8;
	[tilespmem:$0x15D00] =	vst v63  }
0x122: {  	_ =	swait.ge [sflag:s2], $0x2000  }
0x123: {  	[sflag:s2] =	ssyncset.done $0x0  }
0x124: {  	s13 =	simm.s32 $0x7;
	[sflag:s2] =	ssyncadd.s32 $0xFFFFE000  }
0x125: {  	_ =	swait.ge [sflag:s13], $0x80  }
0x126: {  	[sflag:s13] =	ssyncset.done $0x0  }
0x127: {  	s2 =	simm.s32 $0xC;
	[sflag:s13] =	ssyncadd.s32 $0xFFFFFF80;
	s13 =	simm.s32 $0x300  }
0x128: {  	[spmem:s10] =	stream.indirect.scatter.add.f32 [tilespmem:s5], [sflag:$0xF], $0x40, s13, s12, $0xb8;
	[tilespmem:$0x15D00] =	vst v63  }
0x129: {  	_ =	swait.ge [sflag:s2], $0x2000  }
0x12a: {  	[sflag:s2] =	ssyncset.done $0x0  }
0x12b: {  	s5 =	simm.s32 $0x8;
	[sflag:s2] =	ssyncadd.s32 $0xFFFFE000  }
0x12c: {  	_ =	swait.ge [sflag:s5], $0x80  }
0x12d: {  	[sflag:s5] =	ssyncset.done $0x0  }
0x12e: {  	[sflag:s5] =	ssyncadd.s32 $0xFFFFFF80;
	s5 =	simm.s32 $0x380  }
0x12f: {  	[spmem:s10] =	stream.indirect.scatter.add.f32 [tilespmem:s21], [sflag:$0x10], $0x40, s5, s12, $0xb8;
	[tilespmem:$0x15D00] =	vst v63  }
0x130: {  	s21 =	simm.s32 $0xD  }
0x131: {  	_ =	swait.ge [sflag:s21], $0x2000  }
0x132: {  	s2 =	smov.u32 s28;
	[sflag:s21] =	ssyncset.done $0x0  }
0x133: {  	s28 =	sshrl.u32 s26, $0x3;
	[sflag:s21] =	ssyncadd.s32 $0xFFFFE000;
	s21 =	rddreg [dreg:$0x9]  }
0x134: {  	s25 =	smov.u32 s22;
	s30 =	rddreg [dreg:$0x5];
	s28 =	sadd.s32 s21, s28  }
0x135: {  	[tilespmem:s15], [sflag:$0x1] =	stream.linear.gather [hbm4b:s28+s15], $0x80, $0x38;
	[tilespmem:$0x15D00] =	vst v63  }
0x136: {  	s28 =	sadd.s32 s25, s30  }
0x137: {  	s30 =	sadd.s32 $0x40, s28  }
0x138: {  	[tilespmem:s14], [sflag:$0x5] =	stream.linear.gather [hbm4b:s30+s15], $0x80, $0x38;
	[tilespmem:$0x15D00] =	vst v63  }
0x139: {  	s14 =	simm.s32 $0xE  }
0x13a: {  	_ =	swait.ge [sflag:s14], $0x2000  }
0x13b: {  	[sflag:s14] =	ssyncset.done $0x0;
	s30 =	rddreg [dreg:$0x7]  }
0x13c: {  	[sflag:s14] =	ssyncadd.s32 $0xFFFFE000;
	s30 =	sadd.s32 s25, s30  }
0x13d: {  	[tilespmem:s12], [sflag:$0x2] =	stream.linear.gather [hbm4b:s30+s15], $0x80, $0x38;
	[tilespmem:$0x15D00] =	vst v63  }
0x13e: {  	s21 =	sadd.s32 $0x50, s28  }
0x13f: {  	[tilespmem:s4], [sflag:$0x6] =	stream.linear.gather [hbm4b:s21+s15], $0x80, $0x38;
	[tilespmem:$0x15D00] =	vst v63  }
0x140: {  	_ =	swait.ge [sflag:s0], $0x2000  }
0x141: {  	[sflag:s0] =	ssyncset.done $0x0;
	s4 =	rddreg [dreg:$0x6]  }
0x142: {  	[sflag:s0] =	ssyncadd.s32 $0xFFFFE000;
	s1 =	sadd.s32 s25, s4  }
0x143: {  	[tilespmem:s11], [sflag:$0x3] =	stream.linear.gather [hbm4b:s1+s15], $0x80, $0x38;
	[tilespmem:$0x15D00] =	vst v63  }
0x144: {  	s30 =	sadd.s32 $0x60, s28  }
0x145: {  	[tilespmem:s13], [sflag:$0x7] =	stream.linear.gather [hbm4b:s30+s15], $0x80, $0x38;
	[tilespmem:$0x15D00] =	vst v63  }
0x146: {  	_ =	swait.ge [sflag:s17], $0x2000  }
0x147: {  	[sflag:s17] =	ssyncset.done $0x0;
	s14 =	rddreg [dreg:$0x8]  }
0x148: {  	s24 =	sadd.s32 $0x100, s24;
	[sflag:s17] =	ssyncadd.s32 $0xFFFFE000;
	s1 =	sadd.s32 s25, s14  }
0x149: {  	[tilespmem:s20], [sflag:$0x4] =	stream.linear.gather [hbm4b:s1+s15], $0x80, $0x38;
	[tilespmem:$0x15D00] =	vst v63  }
0x14a: {  	s21 =	sadd.s32 $0x70, s28;
	s1 =	sadd.s32 $0xFFFFFF80, s24  }
0x14b: {  	[tilespmem:s5], [sflag:$0x8] =	stream.linear.gather [hbm4b:s21+s15], $0x80, $0x38;
	[tilespmem:$0x15D00] =	vst v63  }
0x14c: {  	p1 =	slt.s32 s1, $0x4E180;
	_ =	swait.ge [sflag:s18], $0x800  }
0x14d: {  	s31 =	sadd.s32 $0x20, s31;
	s1 =	simm.s32 @!p1 $0x4E180;
	[sflag:s18] =	ssyncset.done $0x0  }
0x14e: {  	s30 =	simm.s32 $0x8400;
	s1 =	sshll.u32 s1, $0x1;
	[sflag:s18] =	ssyncadd.s32 $0xFFFFF800  }
0x14f: {  	[tilespmem:s30], [sflag:$0x11] =	stream.linear.gather [hbm4b:s29+s15], $0x80, $0x38;
	[tilespmem:$0x15D00] =	vst v63  }
0x150: {  	p0 =	sne.s32 s22, $0x9C0;
	s22 =	sadd.s32 $0x40, s22;
	s1 =	sadd.s32 s8, s1  }
0x151: {  	[tilespmem:s16], [sflag:$0x13] =	stream.linear.gather [hbm4b:s1+s15], $0x800, $0x38;
	[tilespmem:$0x15D00] =	vst v63  }
.Ltmp1:
0x152: {  	s7 =	simm.s32 $0x8D00;
	s26 =	sadd.s32 $0x200, s26;
	(pc) =	sbr.rel @p0 .LBB2_4-.Ltmp1, $4  }
0x153: {  	p1 =	slt.s32 s24, $0x4E180;
	s1 =	smov.u32 s24;
	_ =	swait.ge [sflag:s23], $0x800  }
0x154: {  	s28 =	smov.u32 s2;
	s1 =	simm.s32 @!p1 $0x4E180;
	[sflag:s23] =	ssyncset.done $0x0  }
0x155: {  	s29 =	sadd.s32 $0x20, s29;
	s25 =	sshll.u32 s1, $0x1;
	[sflag:s23] =	ssyncadd.s32 $0xFFFFF800  }
0x156: {  	[tilespmem:s9], [sflag:$0x12] =	stream.linear.gather [hbm4b:s31+s15], $0x80, $0x38;
	[tilespmem:$0x15D00] =	vst v63  }
0x157: {  	s1 =	sadd.s32 s8, s25;
	s0 =	simm.s32 $0x1  }
0x158: {  	[tilespmem:s7], [sflag:$0x14] =	stream.linear.gather [hbm4b:s1+s15], $0x800, $0x38;
	[tilespmem:$0x15D00] =	vst v63  }
0x159: {  	_ =	swait.ge [sflag:s0], $0x80  }
0x15a: {  	[sflag:s0] =	ssyncset.done $0x0  }
0x15b: {  	s17 =	simm.s32 $0x5;
	[sflag:s0] =	ssyncadd.s32 $0xFFFFFF80  }
0x15c: {  	_ =	swait.ge [sflag:s17], $0x80  }
0x15d: {  	[sflag:s17] =	ssyncset.done $0x0  }
0x15e: {  	s18 =	simm.s32 $0x2;
	[sflag:s17] =	ssyncadd.s32 $0xFFFFFF80  }
0x15f: {  	_ =	swait.ge [sflag:s18], $0x80  }
0x160: {  	[sflag:s18] =	ssyncset.done $0x0  }
0x161: {  	s20 =	simm.s32 $0x6;
	[sflag:s18] =	ssyncadd.s32 $0xFFFFFF80  }
0x162: {  	_ =	swait.ge [sflag:s20], $0x80  }
0x163: {  	[sflag:s20] =	ssyncset.done $0x0  }
0x164: {  	[sflag:s20] =	ssyncadd.s32 $0xFFFFFF80  }
0x165: {  	_ =	swait.ge [sflag:s6], $0x80  }
0x166: {  	[sflag:s6] =	ssyncset.done $0x0  }
0x167: {  	s21 =	simm.s32 $0x7;
	[sflag:s6] =	ssyncadd.s32 $0xFFFFFF80  }
0x168: {  	_ =	swait.ge [sflag:s21], $0x80  }
0x169: {  	[sflag:s21] =	ssyncset.done $0x0  }
0x16a: {  	[sflag:s21] =	ssyncadd.s32 $0xFFFFFF80  }
0x16b: {  	_ =	swait.ge [sflag:s19], $0x80  }
0x16c: {  	[sflag:s19] =	ssyncset.done $0x0  }
0x16d: {  	s22 =	simm.s32 $0x8;
	[sflag:s19] =	ssyncadd.s32 $0xFFFFFF80  }
0x16e: {  	_ =	swait.ge [sflag:s22], $0x80  }
0x16f: {  	[sflag:s22] =	ssyncset.done $0x0  }
0x170: {  	s23 =	simm.s32 $0x11;
	[sflag:s22] =	ssyncadd.s32 $0xFFFFFF80  }
0x171: {  	_ =	swait.ge [sflag:s23], $0x80  }
0x172: {  	[sflag:s23] =	ssyncset.done $0x0  }
0x173: {  	s24 =	simm.s32 $0x13;
	[sflag:s23] =	ssyncadd.s32 $0xFFFFFF80  }
0x174: {  	_ =	swait.ge [sflag:s24], $0x800  }
0x175: {  	[sflag:s24] =	ssyncset.done $0x0  }
0x176: {  	s25 =	simm.s32 $0x12;
	[sflag:s24] =	ssyncadd.s32 $0xFFFFF800  }
0x177: {  	_ =	swait.ge [sflag:s25], $0x80  }
0x178: {  	[sflag:s25] =	ssyncset.done $0x0  }
0x179: {  	s26 =	simm.s32 $0x14;
	[sflag:s25] =	ssyncadd.s32 $0xFFFFFF80  }
0x17a: {  	_ =	swait.ge [sflag:s26], $0x800  }
0x17b: {  	[sflag:s26] =	ssyncset.done $0x0  }
0x17c: {  	[sflag:s26] =	ssyncadd.s32 $0xFFFFF800  }
0x17d: {  	[bflag:$0x0] =	sbarrier.arrive $0xFFFF  }
0x17e: {  	s4 =	simm.s32 $0x400;
	s2 =	simm.s32 $0x17;
	s29 =	rddreg [dreg:$0x1a]  }
0x17f: {  	[tilespmem:s4], [sflag:$0x17] =	stream.linear.gather [spmem:s29], $0x2000, $0x38;
	[tilespmem:$0x15D00] =	vst v63  }
0x180: {  	_ =	swait.ge [sflag:s2], $0x2000  }
0x181: {  	[sflag:s2] =	ssyncset.done $0x0  }
0x182: {  	s0 =	rddreg [dreg:$0xa];
	[sflag:s2] =	ssyncadd.s32 $0xFFFFE000  }
0x183: {  	[hbm4b:s0+s15] =	stream.linear.scatter [tilespmem:s4], [sflag:$0x17], $0x2000, $0x38;
	[tilespmem:$0x15D00] =	vst v63  }
0x184: {  	_ =	swait.ge [sflag:s2], $0x2000  }
0x185: {  	[sflag:s2] =	ssyncset.done $0x0  }
0x186: {  	s5 =	simm.s32 $0x8500;
	s30 =	rddreg [dreg:$0x1b];
	[sflag:s2] =	ssyncadd.s32 $0xFFFFE000  }
0x187: {  	[tilespmem:s5], [sflag:$0x17] =	stream.linear.gather [spmem:s30], $0x800, $0x38;
	[tilespmem:$0x15D00] =	vst v63  }
0x188: {  	_ =	swait.ge [sflag:s2], $0x800  }
0x189: {  	[sflag:s2] =	ssyncset.done $0x0  }
0x18a: {  	s6 =	rddreg [dreg:$0xf];
	[sflag:s2] =	ssyncadd.s32 $0xFFFFF800  }
0x18b: {  	[hbm4b:s6+s15] =	stream.linear.scatter [tilespmem:s5], [sflag:$0x17], $0x800, $0x38;
	[tilespmem:$0x15D00] =	vst v63  }
0x18c: {  	_ =	swait.ge [sflag:s2], $0x800  }
0x18d: {  	[sflag:s2] =	ssyncset.done $0x0  }
0x18e: {  	s31 =	rddreg [dreg:$0x1c];
	[sflag:s2] =	ssyncadd.s32 $0xFFFFF800  }
0x18f: {  	[tilespmem:s4], [sflag:$0x17] =	stream.linear.gather [spmem:s31], $0x2000, $0x38;
	[tilespmem:$0x15D00] =	vst v63  }
0x190: {  	_ =	swait.ge [sflag:s2], $0x2000  }
0x191: {  	[sflag:s2] =	ssyncset.done $0x0  }
0x192: {  	s7 =	rddreg [dreg:$0xb];
	[sflag:s2] =	ssyncadd.s32 $0xFFFFE000  }
0x193: {  	[hbm4b:s7+s15] =	stream.linear.scatter [tilespmem:s4], [sflag:$0x17], $0x2000, $0x38;
	[tilespmem:$0x15D00] =	vst v63  }
0x194: {  	_ =	swait.ge [sflag:s2], $0x2000  }
0x195: {  	[sflag:s2] =	ssyncset.done $0x0  }
0x196: {  	s9 =	rddreg [dreg:$0x1d];
	[sflag:s2] =	ssyncadd.s32 $0xFFFFE000  }
0x197: {  	[tilespmem:s5], [sflag:$0x17] =	stream.linear.gather [spmem:s9], $0x800, $0x38;
	[tilespmem:$0x15D00] =	vst v63  }
0x198: {  	_ =	swait.ge [sflag:s2], $0x800  }
0x199: {  	[sflag:s2] =	ssyncset.done $0x0  }
0x19a: {  	s10 =	rddreg [dreg:$0x10];
	[sflag:s2] =	ssyncadd.s32 $0xFFFFF800  }
0x19b: {  	[hbm4b:s10+s15] =	stream.linear.scatter [tilespmem:s5], [sflag:$0x17], $0x800, $0x38;
	[tilespmem:$0x15D00] =	vst v63  }
0x19c: {  	_ =	swait.ge [sflag:s2], $0x800  }
0x19d: {  	[sflag:s2] =	ssyncset.done $0x0  }
0x19e: {  	s11 =	rddreg [dreg:$0x1e];
	[sflag:s2] =	ssyncadd.s32 $0xFFFFF800  }
0x19f: {  	[tilespmem:s4], [sflag:$0x17] =	stream.linear.gather [spmem:s11], $0x2000, $0x38;
	[tilespmem:$0x15D00] =	vst v63  }
0x1a0: {  	_ =	swait.ge [sflag:s2], $0x2000  }
0x1a1: {  	[sflag:s2] =	ssyncset.done $0x0  }
0x1a2: {  	s13 =	rddreg [dreg:$0xc];
	[sflag:s2] =	ssyncadd.s32 $0xFFFFE000  }
0x1a3: {  	[hbm4b:s13+s15] =	stream.linear.scatter [tilespmem:s4], [sflag:$0x17], $0x2000, $0x38;
	[tilespmem:$0x15D00] =	vst v63  }
0x1a4: {  	_ =	swait.ge [sflag:s2], $0x2000  }
0x1a5: {  	[sflag:s2] =	ssyncset.done $0x0  }
0x1a6: {  	s14 =	rddreg [dreg:$0x1f];
	[sflag:s2] =	ssyncadd.s32 $0xFFFFE000  }
0x1a7: {  	[tilespmem:s5], [sflag:$0x17] =	stream.linear.gather [spmem:s14], $0x800, $0x38;
	[tilespmem:$0x15D00] =	vst v63  }
0x1a8: {  	_ =	swait.ge [sflag:s2], $0x800  }
0x1a9: {  	[sflag:s2] =	ssyncset.done $0x0  }
0x1aa: {  	s16 =	rddreg [dreg:$0x11];
	[sflag:s2] =	ssyncadd.s32 $0xFFFFF800  }
0x1ab: {  	[hbm4b:s16+s15] =	stream.linear.scatter [tilespmem:s5], [sflag:$0x17], $0x800, $0x38;
	[tilespmem:$0x15D00] =	vst v63  }
0x1ac: {  	_ =	swait.ge [sflag:s2], $0x800  }
0x1ad: {  	s17 =	sld [smem:$0x7EF]  }
0x1ae: {  	[sflag:s2] =	ssyncset.done $0x0  }
0x1af: {  	[sflag:s2] =	ssyncadd.s32 $0xFFFFF800  }
0x1b0: {  	[tilespmem:s4], [sflag:$0x17] =	stream.linear.gather [spmem:s17], $0x2000, $0x38;
	[tilespmem:$0x15D00] =	vst v63  }
0x1b1: {  	_ =	swait.ge [sflag:s2], $0x2000  }
0x1b2: {  	[sflag:s2] =	ssyncset.done $0x0  }
0x1b3: {  	s18 =	rddreg [dreg:$0xd];
	[sflag:s2] =	ssyncadd.s32 $0xFFFFE000  }
0x1b4: {  	[hbm4b:s18+s15] =	stream.linear.scatter [tilespmem:s4], [sflag:$0x17], $0x2000, $0x38;
	[tilespmem:$0x15D00] =	vst v63  }
0x1b5: {  	_ =	swait.ge [sflag:s2], $0x2000  }
0x1b6: {  	s19 =	sld [smem:$0x7F0]  }
0x1b7: {  	[sflag:s2] =	ssyncset.done $0x0  }
0x1b8: {  	[sflag:s2] =	ssyncadd.s32 $0xFFFFE000  }
0x1b9: {  	[tilespmem:s5], [sflag:$0x17] =	stream.linear.gather [spmem:s19], $0x800, $0x38;
	[tilespmem:$0x15D00] =	vst v63  }
0x1ba: {  	_ =	swait.ge [sflag:s2], $0x800  }
0x1bb: {  	[sflag:s2] =	ssyncset.done $0x0  }
0x1bc: {  	s20 =	rddreg [dreg:$0x12];
	[sflag:s2] =	ssyncadd.s32 $0xFFFFF800  }
0x1bd: {  	[hbm4b:s20+s15] =	stream.linear.scatter [tilespmem:s5], [sflag:$0x17], $0x800, $0x38;
	[tilespmem:$0x15D00] =	vst v63  }
0x1be: {  	_ =	swait.ge [sflag:s2], $0x800  }
0x1bf: {  	s21 =	sld [smem:$0x7F1]  }
0x1c0: {  	[sflag:s2] =	ssyncset.done $0x0  }
0x1c1: {  	[sflag:s2] =	ssyncadd.s32 $0xFFFFF800  }
0x1c2: {  	[tilespmem:s4], [sflag:$0x17] =	stream.linear.gather [spmem:s21], $0x2000, $0x38;
	[tilespmem:$0x15D00] =	vst v63  }
0x1c3: {  	_ =	swait.ge [sflag:s2], $0x2000  }
0x1c4: {  	[sflag:s2] =	ssyncset.done $0x0  }
0x1c5: {  	s22 =	rddreg [dreg:$0xe];
	[sflag:s2] =	ssyncadd.s32 $0xFFFFE000  }
0x1c6: {  	[hbm4b:s22+s15] =	stream.linear.scatter [tilespmem:s4], [sflag:$0x17], $0x2000, $0x38;
	[tilespmem:$0x15D00] =	vst v63  }
0x1c7: {  	_ =	swait.ge [sflag:s2], $0x2000  }
0x1c8: {  	s23 =	sld [smem:$0x7F2]  }
0x1c9: {  	[sflag:s2] =	ssyncset.done $0x0  }
0x1ca: {  	[sflag:s2] =	ssyncadd.s32 $0xFFFFE000  }
0x1cb: {  	[tilespmem:s5], [sflag:$0x17] =	stream.linear.gather [spmem:s23], $0x800, $0x38;
	[tilespmem:$0x15D00] =	vst v63  }
0x1cc: {  	_ =	swait.ge [sflag:s2], $0x800  }
0x1cd: {  	[sflag:s2] =	ssyncset.done $0x0  }
0x1ce: {  	s24 =	rddreg [dreg:$0x13];
	[sflag:s2] =	ssyncadd.s32 $0xFFFFF800  }
0x1cf: {  	[hbm4b:s24+s15] =	stream.linear.scatter [tilespmem:s5], [sflag:$0x17], $0x800, $0x38;
	[tilespmem:$0x15D00] =	vst v63  }
0x1d0: {  	_ =	swait.ge [sflag:s2], $0x800  }
0x1d1: {  	s25 =	sld [smem:$0x7EE]  }
0x1d2: {  	s26 =	sld [smem:$0x7F5]  }
0x1d3: {  	s6 =	simm.s32 $0x3  }
0x1d4: {  	s9 =	simm.s32 $0x380;
	s10 =	simm.s32 $0x14;
	s0 =	sadd.s32 $0x1, s25  }
0x1d5: {  	s11 =	simm.s32 $0x180;
	s13 =	simm.s32 $0x300;
	p0 =	sne.s32 s0, s26  }
.Ltmp2:
0x1d6: {  	s14 =	simm.s32 $0x8480;
	s16 =	simm.s32 $0x100;
	(pc) =	sbr.rel @p0 .LBB2_1-.Ltmp2, $4  }
0x1d7: {  	s17 =	smov.u32 s8;
	s18 =	simm.s32 $0x280;
	s19 =	simm.s32 $0x2400  }
0x1d8: {  	s20 =	simm.s32 $0x200;
	s21 =	simm.s32 $0x4;
	s4 =	simm.s32 $0x9  }
0x1d9: {  	s23 =	simm.s32 $0x4400;
	[sflag:s2] =	ssyncset.done $0x0;
	s7 =	rddreg [dreg:$0x9]  }
0x1da: {  	[sflag:s2] =	ssyncadd.s32 $0xFFFFF800;
	s2 =	simm.s32 $0x400;
	s26 =	simm.s32 $0x8500  }
0x1db: {  	_ =	sfence.sel $0x180000  }
0x1dc: {  	[bflag:$0x0] =	sbarrier.arrive $0xFFFF  }
0x1dd: {  	_ =	strace $0x90000047  }
0x1de: {  	s0 =	stileid.u32;
	[bflag:$0x2] =	sbarrier.arrive $0xFFFF  }
0x1df: {  	p0 =	sne.s32 s0, $0x0;
	s0 =	rddreg [dreg:$0x4]  }
0x1e0: {  	s0 =	sadd.s32 @!p0 $0x100000, s0  }
0x1e1: {  	[sflag:s0] =	ssyncadd.tile.s32 @!p0 $0x1;
	_ =	shalt  }
.Lfunc_end2:
_tile_overlayer_lowered:
.L_overlay_start_2:
0x1e2: {  	(tag) =	ssettag $0x2  }
0x1e3: {  	s0 =	rddreg [dreg:$0x0];
	s2 =	stileid.u32  }
0x1e4: {  	s1 =	rddreg [dreg:$0x1];
	p0 =	sne.s32 s2, $0x0  }
0x1e5: {  	s3 =	rddreg [dreg:$0x2];
	[bflag:$0x3] =	sbarrier.arrive $0xFFFF;
	s2 =	simm.s32 @!p0 $0x1C17  }
0x1e6: {  	[timem:s3], [sflag:s2] =	dma.local @!p0 [hbm:s0], s1  }
0x1e7: {  	s0 =	simm.s32 @!p0 $0x17  }
0x1e8: {  	_ =	swait.ge @!p0 [sflag:s0], s1  }
0x1e9: {  	s1 =	ssub.s32 @!p0 $0x0, s1;
	[sflag:s0] =	ssyncset.done @!p0 $0x0  }
0x1ea: {  	[sflag:s0] =	ssyncadd.s32 @!p0 s1  }
0x1eb: {  	[bflag:$0x3] =	sbarrier.arrive $0xFFFF  }
0x1ec: {  	_ =	shalt  }

</sc_bundles>
